<compile_context>
chip_gen: v7x
topology: tpu7x:2x2x1
jax: 0.10.2.dev20260603
libtpu: 0.0.44.dev20260713+nightly
codegen_flags: <defaults>
</compile_context>

<pallas_src>
import functools

import jax
import jax.numpy as jnp
from jax import lax
from jax.experimental import pallas as pl
from jax.experimental.pallas import tpu as pltpu
from jax.experimental.pallas import tpu_sc as plsc

_K = 16
_CHUNK = 2048
_BIGF = 1e30
_BIGI = 2**30


def _knn_body(mesh_ref, pos_ref, m2_ref, p2_ref, dval_ref, didx_ref,
              run_val, run_idx, loc_val, loc_idx, *, ntok, mpad):
    step = pl.program_id(0)
    nsteps = pl.num_programs(0)

    @pl.when(step == 0)
    def _init():
        run_val[...] = jnp.full((mpad, _K), _BIGF, jnp.float32)
        run_idx[...] = jnp.zeros((mpad, _K), jnp.int32)

    mesh = mesh_ref[...]
    posb = pos_ref[...]
    m2 = m2_ref[...]
    p2 = p2_ref[...]
    dot = jnp.dot(mesh, posb)
    d2 = (m2 + p2) - 2.0 * dot
    dist = jnp.sqrt(jnp.maximum(d2, 1e-12))
    gidx = step * _CHUNK + lax.broadcasted_iota(jnp.int32, (mpad, _CHUNK), 1)
    dist = jnp.where(gidx < ntok, dist, _BIGF)

    for t in range(_K):
        minval = jnp.min(dist, axis=1, keepdims=True)
        cand = jnp.where(dist == minval, gidx, _BIGI)
        amin = jnp.min(cand, axis=1, keepdims=True)
        loc_val[:, t:t + 1] = minval
        loc_idx[:, t:t + 1] = amin
        dist = jnp.where(gidx == amin, _BIGF, dist)

    cv = jnp.concatenate([run_val[...], loc_val[...]], axis=1)
    ci = jnp.concatenate([run_idx[...], loc_idx[...]], axis=1)
    for t in range(_K):
        minval = jnp.min(cv, axis=1, keepdims=True)
        cand = jnp.where(cv == minval, ci, _BIGI)
        amin = jnp.min(cand, axis=1, keepdims=True)
        run_val[:, t:t + 1] = minval
        run_idx[:, t:t + 1] = amin
        cv = jnp.where(ci == amin, _BIGF, cv)

    @pl.when(step == nsteps - 1)
    def _emit():
        dval_ref[...] = run_val[...]
        didx_ref[...] = run_idx[...]


def _knn_topk(mesh_pad, pos_pad, m2_pad, p2_pad, ntok, mpad, npad):
    grid = npad // _CHUNK
    return pl.pallas_call(
        functools.partial(_knn_body, ntok=ntok, mpad=mpad),
        grid=(grid,),
        in_specs=[
            pl.BlockSpec((mpad, 3), lambda i: (0, 0)),
            pl.BlockSpec((3, _CHUNK), lambda i: (0, i)),
            pl.BlockSpec((mpad, 1), lambda i: (0, 0)),
            pl.BlockSpec((1, _CHUNK), lambda i: (0, i)),
        ],
        out_specs=[
            pl.BlockSpec((mpad, _K), lambda i: (0, 0)),
            pl.BlockSpec((mpad, _K), lambda i: (0, 0)),
        ],
        out_shape=[
            jax.ShapeDtypeStruct((mpad, _K), jnp.float32),
            jax.ShapeDtypeStruct((mpad, _K), jnp.int32),
        ],
        scratch_shapes=[
            pltpu.VMEM((mpad, _K), jnp.float32),
            pltpu.VMEM((mpad, _K), jnp.int32),
            pltpu.VMEM((mpad, _K), jnp.float32),
            pltpu.VMEM((mpad, _K), jnp.int32),
        ],
    )(mesh_pad, pos_pad, m2_pad, p2_pad)


def _sc_gather(tok_table, pos_table, tok_idx, pos_idx):
    rows = tok_idx.shape[0]
    cdim = tok_table.shape[1]
    pdim = pos_table.shape[1]
    info = plsc.get_sparse_core_info()
    nc, ns = info.num_cores, info.num_subcores
    nw = nc * ns
    assert rows % (8 * nw) == 0 and cdim == pdim
    per_w = rows // nw
    mesh = plsc.VectorSubcoreMesh(core_axis_name="c", subcore_axis_name="s")

    @functools.partial(
        pl.kernel, mesh=mesh,
        out_type=(
            jax.ShapeDtypeStruct((rows, cdim), jnp.float32),
            jax.ShapeDtypeStruct((rows, pdim), jnp.float32),
        ),
        scratch_types=[
            pltpu.VMEM((per_w,), jnp.int32),
            pltpu.VMEM((per_w, cdim), jnp.float32),
            pltpu.SemaphoreType.DMA,
        ],
    )
    def gk(tok_hbm, pos_hbm, ti_hbm, pi_hbm, otok_hbm, opos_hbm,
           idx_v, rows_v, sem):
        wid = lax.axis_index("s") * nc + lax.axis_index("c")
        base = wid * per_w
        pltpu.sync_copy(ti_hbm.at[pl.ds(base, per_w)], idx_v)
        pltpu.async_copy(tok_hbm.at[idx_v], rows_v, sem).wait()
        pltpu.sync_copy(rows_v, otok_hbm.at[pl.ds(base, per_w)])
        pltpu.sync_copy(pi_hbm.at[pl.ds(base, per_w)], idx_v)
        pltpu.async_copy(pos_hbm.at[idx_v], rows_v, sem).wait()
        pltpu.sync_copy(rows_v, opos_hbm.at[pl.ds(base, per_w)])

    return gk(tok_table, pos_table, tok_idx, pos_idx)


def _attn_body(tg_ref, pg_ref, dist_ref, mesh_ref,
               Wt_ref, Wp_ref, Wq_ref, Wk_ref, Wv_ref,
               bt_ref, bp_ref, bq_ref, bk_ref, bv_ref,
               gamma_ref, beta_ref, out_ref, *, dmodel):
    f32 = jnp.float32
    Wt = Wt_ref[...]
    Wp = Wp_ref[...]
    Wq = Wq_ref[...]
    Wk = Wk_ref[...]
    Wv = Wv_ref[...]
    btp = bt_ref[...] + bp_ref[...]
    A_k = jnp.dot(Wt, Wk, preferred_element_type=f32)
    A_v = jnp.dot(Wt, Wv, preferred_element_type=f32)
    B_k = jnp.dot(Wp, Wk, preferred_element_type=f32)
    B_v = jnp.dot(Wp, Wv, preferred_element_type=f32)
    c_k = jnp.dot(btp, Wk, preferred_element_type=f32) + bk_ref[...]
    c_v = jnp.dot(btp, Wv, preferred_element_type=f32) + bv_ref[...]

    mesh = mesh_ref[...]
    query = jnp.dot(jnp.dot(mesh, Wp, preferred_element_type=f32) + bp_ref[...],
                    Wq, preferred_element_type=f32) + bq_ref[...]
    qA = lax.dot_general(query, A_k, (((1,), (1,)), ((), ())),
                         preferred_element_type=f32)
    qB = lax.dot_general(query, B_k, (((1,), (1,)), ((), ())),
                         preferred_element_type=f32)
    qc = jnp.sum(query * c_k, axis=1, keepdims=True)

    cols = []
    for j in range(_K):
        tj = tg_ref[0, :, j, :]
        pj = pg_ref[0, :, j, 0:3]
        lt = jnp.sum(tj * qA, axis=1, keepdims=True)
        lp = jnp.sum(pj * qB, axis=1, keepdims=True)
        cols.append(lt + lp)
    logits = jnp.concatenate(cols, axis=1)
    scale = 1.0 / (dmodel ** 0.5)
    logits = (logits + qc) * scale - dist_ref[...]

    mmax = jnp.max(logits, axis=1, keepdims=True)
    ex = jnp.exp(logits - mmax)
    att = ex / jnp.sum(ex, axis=1, keepdims=True)

    tbar = jnp.zeros_like(qA)
    pbar = jnp.zeros((qA.shape[0], 3), f32)
    for j in range(_K):
        aj = att[:, j:j + 1]
        tbar = tbar + tg_ref[0, :, j, :] * aj
        pbar = pbar + pg_ref[0, :, j, 0:3] * aj

    out = (jnp.dot(tbar, A_v, preferred_element_type=f32)
           + jnp.dot(pbar, B_v, preferred_element_type=f32) + c_v)
    mu = jnp.mean(out, axis=1, keepdims=True)
    ctr = out - mu
    var = jnp.mean(ctr * ctr, axis=1, keepdims=True)
    y = ctr / jnp.sqrt(var + 1e-5) * gamma_ref[...] + beta_ref[...]
    out_ref[0] = y


def _attn_combine(tg4, pg4, knn_dist, mesh_pad,
                  Wt, Wp, Wq, Wk, Wv, bt, bp, bq, bk, bv, gamma, beta):
    B, mpad, _, C = tg4.shape
    D = Wt.shape[1]
    pdim = pg4.shape[3]
    full2 = lambda s: pl.BlockSpec(s, lambda b: (0, 0))
    return pl.pallas_call(
        functools.partial(_attn_body, dmodel=D),
        grid=(B,),
        in_specs=[
            pl.BlockSpec((1, mpad, _K, C), lambda b: (b, 0, 0, 0)),
            pl.BlockSpec((1, mpad, _K, pdim), lambda b: (b, 0, 0, 0)),
            full2((mpad, _K)),
            full2((mpad, 3)),
            full2((C, D)),
            full2((3, D)),
            full2((D, D)),
            full2((D, D)),
            full2((D, D)),
            full2((1, D)),
            full2((1, D)),
            full2((1, D)),
            full2((1, D)),
            full2((1, D)),
            full2((1, D)),
            full2((1, D)),
        ],
        out_specs=pl.BlockSpec((1, mpad, D), lambda b: (b, 0, 0)),
        out_shape=jax.ShapeDtypeStruct((B, mpad, D), jnp.float32),
    )(tg4, pg4, knn_dist, mesh_pad, Wt, Wp, Wq, Wk, Wv,
      bt.reshape(1, D), bp.reshape(1, D), bq.reshape(1, D),
      bk.reshape(1, D), bv.reshape(1, D),
      gamma.reshape(1, D), beta.reshape(1, D))


def kernel(x, lat, lon, mesh_pos, Wt, bt, Wp, bp, Wq, bq, Wk, bk, Wv, bv,
           gamma, beta):
    B, C, H, W = x.shape
    D = Wt.shape[1]
    M = mesh_pos.shape[0]
    N = H * W
    mpad = ((M + 7) // 8) * 8
    npad = ((N + _CHUNK - 1) // _CHUNK) * _CHUNK

    lat_g, lon_g = jnp.meshgrid(lat, lon, indexing="ij")
    pos = jnp.stack([jnp.cos(lat_g) * jnp.cos(lon_g),
                     jnp.cos(lat_g) * jnp.sin(lon_g),
                     jnp.sin(lat_g)], axis=-1).reshape(N, 3)

    mesh_pad = jnp.zeros((mpad, 3), jnp.float32).at[:M].set(mesh_pos)
    pos_pad = jnp.zeros((3, npad), jnp.float32).at[:, :N].set(pos.T)
    m2 = jnp.sum(mesh_pos ** 2, axis=1)
    p2 = jnp.sum(pos ** 2, axis=1)
    m2_pad = jnp.zeros((mpad, 1), jnp.float32).at[:M, 0].set(m2)
    p2_pad = jnp.zeros((1, npad), jnp.float32).at[0, :N].set(p2)

    knn_dist, knn_idx = _knn_topk(mesh_pad, pos_pad, m2_pad, p2_pad,
                                  N, mpad, npad)

    tok_table = jnp.transpose(x, (0, 2, 3, 1)).reshape(B * N, C)
    pos_table = jnp.zeros((N, C), jnp.float32).at[:, :3].set(pos)
    iflat = knn_idx.reshape(-1)
    offs = (jnp.arange(B, dtype=jnp.int32) * N)[:, None]
    tok_idx = (iflat[None, :] + offs).reshape(-1)
    pos_idx = jnp.tile(iflat, (B,))

    tok_rows, pos_rows = _sc_gather(tok_table, pos_table, tok_idx, pos_idx)
    tg4 = tok_rows.reshape(B, mpad, _K, C)
    pg4 = pos_rows.reshape(B, mpad, _K, C)

    out = _attn_combine(tg4, pg4, knn_dist, mesh_pad,
                        Wt, Wp, Wq, Wk, Wv, bt, bp, bq, bk, bv, gamma, beta)
    return (out[:, :M, :], mesh_pos)

# --- scband reference (transcript-rebuilt; emitter-appended) ---
"""Pipeline reference for scband-gaia-grid-encoder-69690139345478 (READ-ONLY COPY).

The authoritative reference and input builder live on the scoring server;
editing this copy changes nothing except your own understanding.
"""

import jax, jax.numpy as jnp
import numpy as np

SUBDIV = 3
HIDDEN = 256
KNN_K = 16


def _subdiv_once(verts, faces):
    verts_list = [list(v) for v in verts]
    cache = {}
    new_faces = []
    def midpoint(a, b):
        key = tuple(sorted((a, b)))
        if key in cache:
            return cache[key]
        va = np.array(verts_list[a], dtype=np.float32)
        vb = np.array(verts_list[b], dtype=np.float32)
        vm = (va + vb) / 2
        vm = (vm / np.linalg.norm(vm)).tolist()
        verts_list.append(vm)
        idx = len(verts_list) - 1
        cache[key] = idx
        return idx
    for a, b, c in faces:
        ab = midpoint(a, b)
        bc = midpoint(b, c)
        ca = midpoint(c, a)
        new_faces.extend([(a, ab, ca), (b, bc, ab), (c, ca, bc), (ab, bc, ca)])
    nv = np.array(verts_list, dtype=np.float32)
    nv = nv / np.linalg.norm(nv, axis=1, keepdims=True)
    return nv, new_faces


def _build_mesh(subdivisions):
    phi = (1 + 5 ** 0.5) / 2
    verts = np.array([(-1, phi, 0), (1, phi, 0), (-1, -phi, 0), (1, -phi, 0), (0, -1, phi), (0, 1, phi), (0, -1, -phi), (0, 1, -phi), (phi, 0, -1), (phi, 0, 1), (-phi, 0, -1), (-phi, 0, 1)], dtype=np.float32)
    verts = verts / np.linalg.norm(verts, axis=1, keepdims=True)
    faces = [(0, 11, 5), (0, 5, 1), (0, 1, 7), (0, 7, 10), (0, 10, 11), (1, 5, 9), (5, 11, 4), (11, 10, 2), (10, 7, 6), (7, 1, 8), (3, 9, 4), (3, 4, 2), (3, 2, 6), (3, 6, 8), (3, 8, 9), (4, 9, 5), (2, 4, 11), (6, 2, 10), (8, 6, 7), (9, 8, 1)]
    for _ in range(max(0, subdivisions)):
        verts, faces = _subdiv_once(verts, faces)
    return verts.astype(np.float32)


def setup_inputs(seed: int = 0) -> dict:
    key = jax.random.key(seed)
    ks = jax.random.split(key, 12)
    B, C, H, W = 2, 128, 180, 360
    D = HIDDEN
    x = jax.random.normal(ks[0], (B, C, H, W), dtype=jnp.float32)
    lat = jax.random.uniform(ks[1], (H,), dtype=jnp.float32)
    lon = jax.random.uniform(ks[2], (W,), dtype=jnp.float32)
    mesh_pos = jnp.asarray(_build_mesh(SUBDIV))
    def lin(k, i, o):
        return 0.02 * jax.random.normal(k, (i, o), dtype=jnp.float32)
    Wt = lin(ks[3], C, D); bt = jnp.zeros((D,), jnp.float32)
    Wp = lin(ks[4], 3, D); bp = jnp.zeros((D,), jnp.float32)
    Wq = lin(ks[5], D, D); bq = jnp.zeros((D,), jnp.float32)
    Wk = lin(ks[6], D, D); bk = jnp.zeros((D,), jnp.float32)
    Wv = lin(ks[7], D, D); bv = jnp.zeros((D,), jnp.float32)
    gamma = jnp.ones((D,), jnp.float32); beta = jnp.zeros((D,), jnp.float32)
    return {"x": x, "lat": lat, "lon": lon, "mesh_pos": mesh_pos, "Wt": Wt, "bt": bt, "Wp": Wp, "bp": bp, "Wq": Wq, "bq": bq, "Wk": Wk, "bk": bk, "Wv": Wv, "bv": bv, "gamma": gamma, "beta": beta}


def reference(x, lat, lon, mesh_pos, Wt, bt, Wp, bp, Wq, bq, Wk, bk, Wv, bv, gamma, beta):
    B, C, H, W = x.shape
    D = Wt.shape[1]
    tokens = jnp.transpose(x, (0, 2, 3, 1)).reshape(B, H * W, C)
    lat_g, lon_g = jnp.meshgrid(lat, lon, indexing='ij')
    pos = jnp.stack([jnp.cos(lat_g) * jnp.cos(lon_g), jnp.cos(lat_g) * jnp.sin(lon_g), jnp.sin(lat_g)], axis=-1).reshape(H * W, 3)
    token_embed = tokens @ Wt + bt + (pos @ Wp + bp)[None]
    query = ((mesh_pos @ Wp + bp) @ Wq + bq)[None]
    d2 = jnp.sum(mesh_pos ** 2, axis=1)[:, None] + jnp.sum(pos ** 2, axis=1)[None, :] - 2.0 * (mesh_pos @ pos.T)
    dist = jnp.sqrt(jnp.clip(d2, 1e-12, None))
    k = min(KNN_K, pos.shape[0])
    neg_vals, knn_idx = jax.lax.top_k(-dist, k)
    knn_dist = -neg_vals
    teb = token_embed[:, knn_idx]
    keyv = teb @ Wk + bk
    val = teb @ Wv + bv
    q = query[:, :, None, :]
    attn_logits = jnp.sum(q * keyv, axis=-1) / (D ** 0.5)
    attn_logits = attn_logits + (-knn_dist)[None]
    attn = jax.nn.softmax(attn_logits, axis=-1)
    mf = jnp.sum(attn[..., None] * val, axis=-2)
    mu = jnp.mean(mf, axis=-1, keepdims=True)
    var = jnp.mean((mf - mu) ** 2, axis=-1, keepdims=True)
    mf = (mf - mu) / jnp.sqrt(var + 1e-5) * gamma + beta
    return (mf, mesh_pos)

if __name__ == "__main__":
    import jax
    _d = setup_inputs()
    print(jax.jit(kernel)(*tuple(_d.values())))

</pallas_src>

<mosaic_0001>
#map = affine_map<(d0, d1) -> (0, 0)>
#map1 = affine_map<(d0, d1) -> (0)>
module attributes {stable_mosaic.version = 14 : i64} {
  func.func @gk(%arg0: i32, %arg1: i32, %arg2: memref<129600x128xf32, #tpu.memory_space<hbm>>, %arg3: memref<64800x128xf32, #tpu.memory_space<hbm>>, %arg4: memref<20736xi32, #tpu.memory_space<hbm>>, %arg5: memref<20736xi32, #tpu.memory_space<hbm>>, %arg6: memref<20736x128xf32, #tpu.memory_space<hbm>>, %arg7: memref<20736x128xf32, #tpu.memory_space<hbm>>, %arg8: memref<648xi32, #tpu.memory_space<vmem>>, %arg9: memref<648x128xf32, #tpu.memory_space<vmem>>, %arg10: memref<!tpu.dma_semaphore, #tpu.memory_space<semaphore_mem>>) attributes {dimension_semantics = [#tpu.dimension_semantics<core_parallel>, #tpu.dimension_semantics<subcore_parallel>], iteration_bounds = array<i64: 2, 16>, scalar_prefetch = 0 : i64, scratch_operands = 3 : i64, tpu.core_type = #tpu.core_type<sc_vector_subcore>, window_params = [{transform_indices = #map}, {transform_indices = #map}, {transform_indices = #map1}, {transform_indices = #map1}, {transform_indices = #map}, {transform_indices = #map}]} {
    %mul3A = arith.constant 2 : i32
    %mul3A_0 = arith.muli %arg1, %mul3A : i32
    %add3A = arith.addi %mul3A_0, %arg0 : i32
    %mul3A_1 = arith.constant 648 : i32
    %mul3A_2 = arith.muli %add3A, %mul3A_1 : i32
    "tpu.region"() ({
      %run_scoped3A = tpu.sem_alloc : memref<!tpu.dma_semaphore, #tpu.memory_space<semaphore_mem>>
      %dma_start3A_13 = tpu.memref_slice %arg4[%mul3A_2] : memref<20736xi32, #tpu.memory_space<hbm>> -> memref<648xi32, #tpu.memory_space<hbm>>
      %dma_start3A_14 = tpu.memref_slice %arg4[%mul3A_2] : memref<20736xi32, #tpu.memory_space<hbm>> -> memref<648xi32, #tpu.memory_space<hbm>>
      tpu.enqueue_dma source(%dma_start3A_14 : memref<648xi32, #tpu.memory_space<hbm>>) target(%arg8 : memref<648xi32, #tpu.memory_space<vmem>>) target_semaphore(%run_scoped3A : memref<!tpu.dma_semaphore, #tpu.memory_space<semaphore_mem>>)
      %dma_wait3A_15 = tpu.memref_slice %arg4[%mul3A_2] : memref<20736xi32, #tpu.memory_space<hbm>> -> memref<648xi32, #tpu.memory_space<hbm>>
      %dma_wait3A_16 = tpu.memref_slice %arg4[%mul3A_2] : memref<20736xi32, #tpu.memory_space<hbm>> -> memref<648xi32, #tpu.memory_space<hbm>>
      tpu.wait_dma2 semaphore(%run_scoped3A : memref<!tpu.dma_semaphore, #tpu.memory_space<semaphore_mem>>) src(%dma_wait3A_16 : memref<648xi32, #tpu.memory_space<hbm>>) dst(%arg8 : memref<648xi32, #tpu.memory_space<vmem>>)
      tpu.yield
    }) : () -> ()
    %dma_start3A = arith.constant 0 : i32
    %dma_start3A_3 = arith.constant 0 : i32
    %dma_start3A_4 = tpu.memref_slice %arg2[%dma_start3A, %dma_start3A_3] : memref<129600x128xf32, #tpu.memory_space<hbm>> -> memref<129600x128xf32, #tpu.memory_space<hbm>>
    tpu.enqueue_indirect_dma source(%dma_start3A_4 : memref<129600x128xf32, #tpu.memory_space<hbm>>) target(%arg9 : memref<648x128xf32, #tpu.memory_space<vmem>>) offsets(%arg8 : memref<648xi32, #tpu.memory_space<vmem>>) semaphore(%arg10 : memref<!tpu.dma_semaphore, #tpu.memory_space<semaphore_mem>>)
    %dma_wait3A = arith.constant 0 : i32
    %dma_wait3A_5 = arith.constant 0 : i32
    %dma_wait3A_6 = tpu.memref_slice %arg2[%dma_wait3A, %dma_wait3A_5] : memref<129600x128xf32, #tpu.memory_space<hbm>> -> memref<129600x128xf32, #tpu.memory_space<hbm>>
    tpu.wait_indirect_dma semaphore(%arg10 : memref<!tpu.dma_semaphore, #tpu.memory_space<semaphore_mem>>) src(%dma_wait3A_6 : memref<129600x128xf32, #tpu.memory_space<hbm>>) dst(%arg9 : memref<648x128xf32, #tpu.memory_space<vmem>>)
    "tpu.region"() ({
      %run_scoped3A = tpu.sem_alloc : memref<!tpu.dma_semaphore, #tpu.memory_space<semaphore_mem>>
      %dma_start3A_13 = arith.constant 0 : i32
      %dma_start3A_14 = tpu.memref_slice %arg6[%mul3A_2, %dma_start3A_13] : memref<20736x128xf32, #tpu.memory_space<hbm>> -> memref<648x128xf32, #tpu.memory_space<hbm>>
      %dma_start3A_15 = arith.constant 0 : i32
      %dma_start3A_16 = tpu.memref_slice %arg6[%mul3A_2, %dma_start3A_15] : memref<20736x128xf32, #tpu.memory_space<hbm>> -> memref<648x128xf32, #tpu.memory_space<hbm>>
      tpu.enqueue_dma source(%arg9 : memref<648x128xf32, #tpu.memory_space<vmem>>) target(%dma_start3A_16 : memref<648x128xf32, #tpu.memory_space<hbm>>) target_semaphore(%run_scoped3A : memref<!tpu.dma_semaphore, #tpu.memory_space<semaphore_mem>>)
      %dma_wait3A_17 = arith.constant 0 : i32
      %dma_wait3A_18 = tpu.memref_slice %arg6[%mul3A_2, %dma_wait3A_17] : memref<20736x128xf32, #tpu.memory_space<hbm>> -> memref<648x128xf32, #tpu.memory_space<hbm>>
      %dma_wait3A_19 = arith.constant 0 : i32
      %dma_wait3A_20 = tpu.memref_slice %arg6[%mul3A_2, %dma_wait3A_19] : memref<20736x128xf32, #tpu.memory_space<hbm>> -> memref<648x128xf32, #tpu.memory_space<hbm>>
      tpu.wait_dma2 semaphore(%run_scoped3A : memref<!tpu.dma_semaphore, #tpu.memory_space<semaphore_mem>>) src(%arg9 : memref<648x128xf32, #tpu.memory_space<vmem>>) dst(%dma_wait3A_20 : memref<648x128xf32, #tpu.memory_space<hbm>>)
      tpu.yield
    }) : () -> ()
    "tpu.region"() ({
      %run_scoped3A = tpu.sem_alloc : memref<!tpu.dma_semaphore, #tpu.memory_space<semaphore_mem>>
      %dma_start3A_13 = tpu.memref_slice %arg5[%mul3A_2] : memref<20736xi32, #tpu.memory_space<hbm>> -> memref<648xi32, #tpu.memory_space<hbm>>
      %dma_start3A_14 = tpu.memref_slice %arg5[%mul3A_2] : memref<20736xi32, #tpu.memory_space<hbm>> -> memref<648xi32, #tpu.memory_space<hbm>>
      tpu.enqueue_dma source(%dma_start3A_14 : memref<648xi32, #tpu.memory_space<hbm>>) target(%arg8 : memref<648xi32, #tpu.memory_space<vmem>>) target_semaphore(%run_scoped3A : memref<!tpu.dma_semaphore, #tpu.memory_space<semaphore_mem>>)
      %dma_wait3A_15 = tpu.memref_slice %arg5[%mul3A_2] : memref<20736xi32, #tpu.memory_space<hbm>> -> memref<648xi32, #tpu.memory_space<hbm>>
      %dma_wait3A_16 = tpu.memref_slice %arg5[%mul3A_2] : memref<20736xi32, #tpu.memory_space<hbm>> -> memref<648xi32, #tpu.memory_space<hbm>>
      tpu.wait_dma2 semaphore(%run_scoped3A : memref<!tpu.dma_semaphore, #tpu.memory_space<semaphore_mem>>) src(%dma_wait3A_16 : memref<648xi32, #tpu.memory_space<hbm>>) dst(%arg8 : memref<648xi32, #tpu.memory_space<vmem>>)
      tpu.yield
    }) : () -> ()
    %dma_start3A_7 = arith.constant 0 : i32
    %dma_start3A_8 = arith.constant 0 : i32
    %dma_start3A_9 = tpu.memref_slice %arg3[%dma_start3A_7, %dma_start3A_8] : memref<64800x128xf32, #tpu.memory_space<hbm>> -> memref<64800x128xf32, #tpu.memory_space<hbm>>
    tpu.enqueue_indirect_dma source(%dma_start3A_9 : memref<64800x128xf32, #tpu.memory_space<hbm>>) target(%arg9 : memref<648x128xf32, #tpu.memory_space<vmem>>) offsets(%arg8 : memref<648xi32, #tpu.memory_space<vmem>>) semaphore(%arg10 : memref<!tpu.dma_semaphore, #tpu.memory_space<semaphore_mem>>)
    %dma_wait3A_10 = arith.constant 0 : i32
    %dma_wait3A_11 = arith.constant 0 : i32
    %dma_wait3A_12 = tpu.memref_slice %arg3[%dma_wait3A_10, %dma_wait3A_11] : memref<64800x128xf32, #tpu.memory_space<hbm>> -> memref<64800x128xf32, #tpu.memory_space<hbm>>
    tpu.wait_indirect_dma semaphore(%arg10 : memref<!tpu.dma_semaphore, #tpu.memory_space<semaphore_mem>>) src(%dma_wait3A_12 : memref<64800x128xf32, #tpu.memory_space<hbm>>) dst(%arg9 : memref<648x128xf32, #tpu.memory_space<vmem>>)
    "tpu.region"() ({
      %run_scoped3A = tpu.sem_alloc : memref<!tpu.dma_semaphore, #tpu.memory_space<semaphore_mem>>
      %dma_start3A_13 = arith.constant 0 : i32
      %dma_start3A_14 = tpu.memref_slice %arg7[%mul3A_2, %dma_start3A_13] : memref<20736x128xf32, #tpu.memory_space<hbm>> -> memref<648x128xf32, #tpu.memory_space<hbm>>
      %dma_start3A_15 = arith.constant 0 : i32
      %dma_start3A_16 = tpu.memref_slice %arg7[%mul3A_2, %dma_start3A_15] : memref<20736x128xf32, #tpu.memory_space<hbm>> -> memref<648x128xf32, #tpu.memory_space<hbm>>
      tpu.enqueue_dma source(%arg9 : memref<648x128xf32, #tpu.memory_space<vmem>>) target(%dma_start3A_16 : memref<648x128xf32, #tpu.memory_space<hbm>>) target_semaphore(%run_scoped3A : memref<!tpu.dma_semaphore, #tpu.memory_space<semaphore_mem>>)
      %dma_wait3A_17 = arith.constant 0 : i32
      %dma_wait3A_18 = tpu.memref_slice %arg7[%mul3A_2, %dma_wait3A_17] : memref<20736x128xf32, #tpu.memory_space<hbm>> -> memref<648x128xf32, #tpu.memory_space<hbm>>
      %dma_wait3A_19 = arith.constant 0 : i32
      %dma_wait3A_20 = tpu.memref_slice %arg7[%mul3A_2, %dma_wait3A_19] : memref<20736x128xf32, #tpu.memory_space<hbm>> -> memref<648x128xf32, #tpu.memory_space<hbm>>
      tpu.wait_dma2 semaphore(%run_scoped3A : memref<!tpu.dma_semaphore, #tpu.memory_space<semaphore_mem>>) src(%arg9 : memref<648x128xf32, #tpu.memory_space<vmem>>) dst(%dma_wait3A_20 : memref<648x128xf32, #tpu.memory_space<hbm>>)
      tpu.yield
    }) : () -> ()
    return
  }
}

module attributes {stable_mosaic.version = 14 : i64} {
  func.func @_knn_body(%arg0: i32, %arg1: memref<648x3xf32, #tpu.memory_space<vmem>>, %arg2: memref<3x2048xf32, #tpu.memory_space<vmem>>, %arg3: memref<648x1xf32, #tpu.memory_space<vmem>>, %arg4: memref<1x2048xf32, #tpu.memory_space<vmem>>, %arg5: memref<648x16xf32, #tpu.memory_space<vmem>>, %arg6: memref<648x16xi32, #tpu.memory_space<vmem>>, %arg7: memref<648x16xf32, #tpu.memory_space<vmem>>, %arg8: memref<648x16xi32, #tpu.memory_space<vmem>>, %arg9: memref<648x16xf32, #tpu.memory_space<vmem>>, %arg10: memref<648x16xi32, #tpu.memory_space<vmem>>) attributes {dimension_semantics = [#tpu.dimension_semantics<arbitrary>], iteration_bounds = array<i64: 32>, scalar_prefetch = 0 : i64, scratch_operands = 4 : i64, tpu.core_type = #tpu.core_type<tc>, window_params = [{pipeline_mode = #tpu.pipeline_mode<synchronous>, transform_indices = @transform_0, window_bounds = array<i64: 648, 3>}, {transform_indices = @transform_1, window_bounds = array<i64: 3, 2048>}, {pipeline_mode = #tpu.pipeline_mode<synchronous>, transform_indices = @transform_2, window_bounds = array<i64: 648, 1>}, {transform_indices = @transform_3, window_bounds = array<i64: 1, 2048>}, {pipeline_mode = #tpu.pipeline_mode<synchronous>, transform_indices = @transform_4, window_bounds = array<i64: 648, 16>}, {pipeline_mode = #tpu.pipeline_mode<synchronous>, transform_indices = @transform_5, window_bounds = array<i64: 648, 16>}]} {
    %eq3A = arith.constant 0 : i32
    %eq3A_0 = arith.cmpi eq, %arg0, %eq3A : i32
    %convert_element_type3A = arith.extui %eq3A_0 : i1 to i32
    %cond3A = arith.constant 0 : i32
    %cond3A_1 = arith.cmpi ne, %convert_element_type3A, %cond3A : i32
    scf.if %cond3A_1 {
      %broadcast_in_dim3A_736 = arith.constant 1.000000e+30 : f32
      %broadcast_in_dim3A_737 = vector.broadcast %broadcast_in_dim3A_736 : f32 to vector<648x16xf32>
      %swap3A_738 = arith.constant 0 : index
      %swap3A_739 = arith.constant 0 : index
      %swap3A_740 = vector.load %arg7[%swap3A_738, %swap3A_739] : memref<648x16xf32, #tpu.memory_space<vmem>>, vector<648x16xf32>
      tpu.vector_store %arg7[%swap3A_738, %swap3A_739], %broadcast_in_dim3A_737 {strides = array<i32>} : memref<648x16xf32, #tpu.memory_space<vmem>>, vector<648x16xf32>,
      %broadcast_in_dim3A_741 = arith.constant 0 : i32
      %broadcast_in_dim3A_742 = vector.broadcast %broadcast_in_dim3A_741 : i32 to vector<648x16xi32>
      %swap3A_743 = arith.constant 0 : index
      %swap3A_744 = arith.constant 0 : index
      %swap3A_745 = vector.load %arg8[%swap3A_743, %swap3A_744] : memref<648x16xi32, #tpu.memory_space<vmem>>, vector<648x16xi32>
      tpu.vector_store %arg8[%swap3A_743, %swap3A_744], %broadcast_in_dim3A_742 {strides = array<i32>} : memref<648x16xi32, #tpu.memory_space<vmem>>, vector<648x16xi32>,
    } else {
    }
    %get3A = arith.constant 0 : index
    %get3A_2 = arith.constant 0 : index
    %get3A_3 = vector.load %arg1[%get3A, %get3A_2] : memref<648x3xf32, #tpu.memory_space<vmem>>, vector<648x3xf32>
    %get3A_4 = arith.constant 0 : index
    %get3A_5 = arith.constant 0 : index
    %get3A_6 = vector.load %arg2[%get3A_4, %get3A_5] : memref<3x2048xf32, #tpu.memory_space<vmem>>, vector<3x2048xf32>
    %get3A_7 = arith.constant 0 : index
    %get3A_8 = arith.constant 0 : index
    %get3A_9 = vector.load %arg3[%get3A_7, %get3A_8] : memref<648x1xf32, #tpu.memory_space<vmem>>, vector<648x1xf32>
    %get3A_10 = arith.constant 0 : index
    %get3A_11 = arith.constant 0 : index
    %get3A_12 = vector.load %arg4[%get3A_10, %get3A_11] : memref<1x2048xf32, #tpu.memory_space<vmem>>, vector<1x2048xf32>
    %dot_general3A = arith.constant dense<0.000000e+00> : vector<648x2048xf32>
    %dot_general3A_13 = tpu.matmul %get3A_3, %get3A_6, %dot_general3A {dimension_numbers = #tpu.dot_dimension_numbers<[1], [0], [0], [1], [0, 0, 1, 1], [], []>, transpose_lhs_hint = false} : vector<648x3xf32>, vector<3x2048xf32>, vector<648x2048xf32> -> vector<648x2048xf32>
    %add3A = vector.broadcast %get3A_9 : vector<648x1xf32> to vector<648x2048xf32>
    %add3A_14 = vector.broadcast %get3A_12 : vector<1x2048xf32> to vector<648x2048xf32>
    %add3A_15 = arith.addf %add3A, %add3A_14 : vector<648x2048xf32>
    %mul3A = arith.constant 2.000000e+00 : f32
    %mul3A_16 = vector.broadcast %mul3A : f32 to vector<648x2048xf32>
    %mul3A_17 = arith.mulf %mul3A_16, %dot_general3A_13 : vector<648x2048xf32>
    %sub3A = arith.subf %add3A_15, %mul3A_17 : vector<648x2048xf32>
    %max3A = arith.constant 9.99999996E-13 : f32
    %max3A_18 = vector.broadcast %max3A : f32 to vector<648x2048xf32>
    %max3A_19 = arith.maximumf %sub3A, %max3A_18 : vector<648x2048xf32>
    %sqrt3A = math.sqrt %max3A_19 : vector<648x2048xf32>
    %mul3A_20 = arith.constant 2048 : i32
    %mul3A_21 = arith.muli %arg0, %mul3A_20 : i32
    %iota3A = tpu.iota {dimensions = array<i32: 1>} : vector<648x2048xi32>
    %add3A_22 = vector.broadcast %mul3A_21 : i32 to vector<648x2048xi32>
    %add3A_23 = arith.addi %add3A_22, %iota3A : vector<648x2048xi32>
    %lt3A = arith.constant 64800 : i32
    %lt3A_24 = vector.broadcast %lt3A : i32 to vector<648x2048xi32>
    %lt3A_25 = arith.cmpi slt, %add3A_23, %lt3A_24 : vector<648x2048xi32>
    %jit3A = arith.constant 1.000000e+30 : f32
    %broadcast_in_dim3A = vector.broadcast %jit3A : f32 to vector<648x2048xf32>
    %select_n3A = arith.select %lt3A_25, %sqrt3A, %broadcast_in_dim3A : vector<648x2048xi1>, vector<648x2048xf32>
    %reduce_min3A = arith.constant dense<0x7F800000> : vector<648xf32>
    %reduce_min3A_26 = vector.multi_reduction <minimumf>, %select_n3A, %reduce_min3A [1] : vector<648x2048xf32> to vector<648xf32>
    %broadcast_in_dim3A_27 = vector.shape_cast %reduce_min3A_26 : vector<648xf32> to vector<648x1xf32>
    %eq3A_28 = vector.broadcast %broadcast_in_dim3A_27 : vector<648x1xf32> to vector<648x2048xf32>
    %eq3A_29 = arith.cmpf oeq, %select_n3A, %eq3A_28 : vector<648x2048xf32>
    %jit3A_30 = arith.constant 1073741824 : i32
    %broadcast_in_dim3A_31 = vector.broadcast %jit3A_30 : i32 to vector<648x2048xi32>
    %select_n3A_32 = arith.select %eq3A_29, %add3A_23, %broadcast_in_dim3A_31 : vector<648x2048xi1>, vector<648x2048xi32>
    %reduce_min3A_33 = arith.constant dense<2147483647> : vector<648xi32>
    %reduce_min3A_34 = vector.multi_reduction <minsi>, %select_n3A_32, %reduce_min3A_33 [1] : vector<648x2048xi32> to vector<648xi32>
    %broadcast_in_dim3A_35 = vector.shape_cast %reduce_min3A_34 : vector<648xi32> to vector<648x1xi32>
    %swap3A = arith.constant 0 : index
    %swap3A_36 = arith.constant 0 : index
    %swap3A_37 = vector.load %arg9[%swap3A, %swap3A_36] : memref<648x16xf32, #tpu.memory_space<vmem>>, vector<648x1xf32>
    tpu.vector_store %arg9[%swap3A, %swap3A_36], %broadcast_in_dim3A_27 {strides = array<i32>} : memref<648x16xf32, #tpu.memory_space<vmem>>, vector<648x1xf32>,
    %swap3A_38 = arith.constant 0 : index
    %swap3A_39 = arith.constant 0 : index
    %swap3A_40 = vector.load %arg10[%swap3A_38, %swap3A_39] : memref<648x16xi32, #tpu.memory_space<vmem>>, vector<648x1xi32>
    tpu.vector_store %arg10[%swap3A_38, %swap3A_39], %broadcast_in_dim3A_35 {strides = array<i32>} : memref<648x16xi32, #tpu.memory_space<vmem>>, vector<648x1xi32>,
    %eq3A_41 = vector.broadcast %broadcast_in_dim3A_35 : vector<648x1xi32> to vector<648x2048xi32>
    %eq3A_42 = arith.cmpi eq, %add3A_23, %eq3A_41 : vector<648x2048xi32>
    %jit3A_43 = arith.constant 1.000000e+30 : f32
    %broadcast_in_dim3A_44 = vector.broadcast %jit3A_43 : f32 to vector<648x2048xf32>
    %select_n3A_45 = arith.select %eq3A_42, %broadcast_in_dim3A_44, %select_n3A : vector<648x2048xi1>, vector<648x2048xf32>
    %reduce_min3A_46 = arith.constant dense<0x7F800000> : vector<648xf32>
    %reduce_min3A_47 = vector.multi_reduction <minimumf>, %select_n3A_45, %reduce_min3A_46 [1] : vector<648x2048xf32> to vector<648xf32>
    %broadcast_in_dim3A_48 = vector.shape_cast %reduce_min3A_47 : vector<648xf32> to vector<648x1xf32>
    %eq3A_49 = vector.broadcast %broadcast_in_dim3A_48 : vector<648x1xf32> to vector<648x2048xf32>
    %eq3A_50 = arith.cmpf oeq, %select_n3A_45, %eq3A_49 : vector<648x2048xf32>
    %jit3A_51 = arith.constant 1073741824 : i32
    %broadcast_in_dim3A_52 = vector.broadcast %jit3A_51 : i32 to vector<648x2048xi32>
    %select_n3A_53 = arith.select %eq3A_50, %add3A_23, %broadcast_in_dim3A_52 : vector<648x2048xi1>, vector<648x2048xi32>
    %reduce_min3A_54 = arith.constant dense<2147483647> : vector<648xi32>
    %reduce_min3A_55 = vector.multi_reduction <minsi>, %select_n3A_53, %reduce_min3A_54 [1] : vector<648x2048xi32> to vector<648xi32>
    %broadcast_in_dim3A_56 = vector.shape_cast %reduce_min3A_55 : vector<648xi32> to vector<648x1xi32>
    %swap3A_57 = arith.constant 0 : index
    %swap3A_58 = arith.constant 1 : index
    %swap3A_59 = vector.load %arg9[%swap3A_57, %swap3A_58] : memref<648x16xf32, #tpu.memory_space<vmem>>, vector<648x1xf32>
    tpu.vector_store %arg9[%swap3A_57, %swap3A_58], %broadcast_in_dim3A_48 {strides = array<i32>} : memref<648x16xf32, #tpu.memory_space<vmem>>, vector<648x1xf32>,
    %swap3A_60 = arith.constant 0 : index
    %swap3A_61 = arith.constant 1 : index
    %swap3A_62 = vector.load %arg10[%swap3A_60, %swap3A_61] : memref<648x16xi32, #tpu.memory_space<vmem>>, vector<648x1xi32>
    tpu.vector_store %arg10[%swap3A_60, %swap3A_61], %broadcast_in_dim3A_56 {strides = array<i32>} : memref<648x16xi32, #tpu.memory_space<vmem>>, vector<648x1xi32>,
    %eq3A_63 = vector.broadcast %broadcast_in_dim3A_56 : vector<648x1xi32> to vector<648x2048xi32>
    %eq3A_64 = arith.cmpi eq, %add3A_23, %eq3A_63 : vector<648x2048xi32>
    %jit3A_65 = arith.constant 1.000000e+30 : f32
    %broadcast_in_dim3A_66 = vector.broadcast %jit3A_65 : f32 to vector<648x2048xf32>
    %select_n3A_67 = arith.select %eq3A_64, %broadcast_in_dim3A_66, %select_n3A_45 : vector<648x2048xi1>, vector<648x2048xf32>
    %reduce_min3A_68 = arith.constant dense<0x7F800000> : vector<648xf32>
    %reduce_min3A_69 = vector.multi_reduction <minimumf>, %select_n3A_67, %reduce_min3A_68 [1] : vector<648x2048xf32> to vector<648xf32>
    %broadcast_in_dim3A_70 = vector.shape_cast %reduce_min3A_69 : vector<648xf32> to vector<648x1xf32>
    %eq3A_71 = vector.broadcast %broadcast_in_dim3A_70 : vector<648x1xf32> to vector<648x2048xf32>
    %eq3A_72 = arith.cmpf oeq, %select_n3A_67, %eq3A_71 : vector<648x2048xf32>
    %jit3A_73 = arith.constant 1073741824 : i32
    %broadcast_in_dim3A_74 = vector.broadcast %jit3A_73 : i32 to vector<648x2048xi32>
    %select_n3A_75 = arith.select %eq3A_72, %add3A_23, %broadcast_in_dim3A_74 : vector<648x2048xi1>, vector<648x2048xi32>
    %reduce_min3A_76 = arith.constant dense<2147483647> : vector<648xi32>
    %reduce_min3A_77 = vector.multi_reduction <minsi>, %select_n3A_75, %reduce_min3A_76 [1] : vector<648x2048xi32> to vector<648xi32>
    %broadcast_in_dim3A_78 = vector.shape_cast %reduce_min3A_77 : vector<648xi32> to vector<648x1xi32>
    %swap3A_79 = arith.constant 0 : index
    %swap3A_80 = arith.constant 2 : index
    %swap3A_81 = vector.load %arg9[%swap3A_79, %swap3A_80] : memref<648x16xf32, #tpu.memory_space<vmem>>, vector<648x1xf32>
    tpu.vector_store %arg9[%swap3A_79, %swap3A_80], %broadcast_in_dim3A_70 {strides = array<i32>} : memref<648x16xf32, #tpu.memory_space<vmem>>, vector<648x1xf32>,
    %swap3A_82 = arith.constant 0 : index
    %swap3A_83 = arith.constant 2 : index
    %swap3A_84 = vector.load %arg10[%swap3A_82, %swap3A_83] : memref<648x16xi32, #tpu.memory_space<vmem>>, vector<648x1xi32>
    tpu.vector_store %arg10[%swap3A_82, %swap3A_83], %broadcast_in_dim3A_78 {strides = array<i32>} : memref<648x16xi32, #tpu.memory_space<vmem>>, vector<648x1xi32>,
    %eq3A_85 = vector.broadcast %broadcast_in_dim3A_78 : vector<648x1xi32> to vector<648x2048xi32>
    %eq3A_86 = arith.cmpi eq, %add3A_23, %eq3A_85 : vector<648x2048xi32>
    %jit3A_87 = arith.constant 1.000000e+30 : f32
    %broadcast_in_dim3A_88 = vector.broadcast %jit3A_87 : f32 to vector<648x2048xf32>
    %select_n3A_89 = arith.select %eq3A_86, %broadcast_in_dim3A_88, %select_n3A_67 : vector<648x2048xi1>, vector<648x2048xf32>
    %reduce_min3A_90 = arith.constant dense<0x7F800000> : vector<648xf32>
    %reduce_min3A_91 = vector.multi_reduction <minimumf>, %select_n3A_89, %reduce_min3A_90 [1] : vector<648x2048xf32> to vector<648xf32>
    %broadcast_in_dim3A_92 = vector.shape_cast %reduce_min3A_91 : vector<648xf32> to vector<648x1xf32>
    %eq3A_93 = vector.broadcast %broadcast_in_dim3A_92 : vector<648x1xf32> to vector<648x2048xf32>
    %eq3A_94 = arith.cmpf oeq, %select_n3A_89, %eq3A_93 : vector<648x2048xf32>
    %jit3A_95 = arith.constant 1073741824 : i32
    %broadcast_in_dim3A_96 = vector.broadcast %jit3A_95 : i32 to vector<648x2048xi32>
    %select_n3A_97 = arith.select %eq3A_94, %add3A_23, %broadcast_in_dim3A_96 : vector<648x2048xi1>, vector<648x2048xi32>
    %reduce_min3A_98 = arith.constant dense<2147483647> : vector<648xi32>
    %reduce_min3A_99 = vector.multi_reduction <minsi>, %select_n3A_97, %reduce_min3A_98 [1] : vector<648x2048xi32> to vector<648xi32>
    %broadcast_in_dim3A_100 = vector.shape_cast %reduce_min3A_99 : vector<648xi32> to vector<648x1xi32>
    %swap3A_101 = arith.constant 0 : index
    %swap3A_102 = arith.constant 3 : index
    %swap3A_103 = vector.load %arg9[%swap3A_101, %swap3A_102] : memref<648x16xf32, #tpu.memory_space<vmem>>, vector<648x1xf32>
    tpu.vector_store %arg9[%swap3A_101, %swap3A_102], %broadcast_in_dim3A_92 {strides = array<i32>} : memref<648x16xf32, #tpu.memory_space<vmem>>, vector<648x1xf32>,
    %swap3A_104 = arith.constant 0 : index
    %swap3A_105 = arith.constant 3 : index
    %swap3A_106 = vector.load %arg10[%swap3A_104, %swap3A_105] : memref<648x16xi32, #tpu.memory_space<vmem>>, vector<648x1xi32>
    tpu.vector_store %arg10[%swap3A_104, %swap3A_105], %broadcast_in_dim3A_100 {strides = array<i32>} : memref<648x16xi32, #tpu.memory_space<vmem>>, vector<648x1xi32>,
    %eq3A_107 = vector.broadcast %broadcast_in_dim3A_100 : vector<648x1xi32> to vector<648x2048xi32>
    %eq3A_108 = arith.cmpi eq, %add3A_23, %eq3A_107 : vector<648x2048xi32>
    %jit3A_109 = arith.constant 1.000000e+30 : f32
    %broadcast_in_dim3A_110 = vector.broadcast %jit3A_109 : f32 to vector<648x2048xf32>
    %select_n3A_111 = arith.select %eq3A_108, %broadcast_in_dim3A_110, %select_n3A_89 : vector<648x2048xi1>, vector<648x2048xf32>
    %reduce_min3A_112 = arith.constant dense<0x7F800000> : vector<648xf32>
    %reduce_min3A_113 = vector.multi_reduction <minimumf>, %select_n3A_111, %reduce_min3A_112 [1] : vector<648x2048xf32> to vector<648xf32>
    %broadcast_in_dim3A_114 = vector.shape_cast %reduce_min3A_113 : vector<648xf32> to vector<648x1xf32>
    %eq3A_115 = vector.broadcast %broadcast_in_dim3A_114 : vector<648x1xf32> to vector<648x2048xf32>
    %eq3A_116 = arith.cmpf oeq, %select_n3A_111, %eq3A_115 : vector<648x2048xf32>
    %jit3A_117 = arith.constant 1073741824 : i32
    %broadcast_in_dim3A_118 = vector.broadcast %jit3A_117 : i32 to vector<648x2048xi32>
    %select_n3A_119 = arith.select %eq3A_116, %add3A_23, %broadcast_in_dim3A_118 : vector<648x2048xi1>, vector<648x2048xi32>
    %reduce_min3A_120 = arith.constant dense<2147483647> : vector<648xi32>
    %reduce_min3A_121 = vector.multi_reduction <minsi>, %select_n3A_119, %reduce_min3A_120 [1] : vector<648x2048xi32> to vector<648xi32>
    %broadcast_in_dim3A_122 = vector.shape_cast %reduce_min3A_121 : vector<648xi32> to vector<648x1xi32>
    %swap3A_123 = arith.constant 0 : index
    %swap3A_124 = arith.constant 4 : index
    %swap3A_125 = vector.load %arg9[%swap3A_123, %swap3A_124] : memref<648x16xf32, #tpu.memory_space<vmem>>, vector<648x1xf32>
    tpu.vector_store %arg9[%swap3A_123, %swap3A_124], %broadcast_in_dim3A_114 {strides = array<i32>} : memref<648x16xf32, #tpu.memory_space<vmem>>, vector<648x1xf32>,
    %swap3A_126 = arith.constant 0 : index
    %swap3A_127 = arith.constant 4 : index
    %swap3A_128 = vector.load %arg10[%swap3A_126, %swap3A_127] : memref<648x16xi32, #tpu.memory_space<vmem>>, vector<648x1xi32>
    tpu.vector_store %arg10[%swap3A_126, %swap3A_127], %broadcast_in_dim3A_122 {strides = array<i32>} : memref<648x16xi32, #tpu.memory_space<vmem>>, vector<648x1xi32>,
    %eq3A_129 = vector.broadcast %broadcast_in_dim3A_122 : vector<648x1xi32> to vector<648x2048xi32>
    %eq3A_130 = arith.cmpi eq, %add3A_23, %eq3A_129 : vector<648x2048xi32>
    %jit3A_131 = arith.constant 1.000000e+30 : f32
    %broadcast_in_dim3A_132 = vector.broadcast %jit3A_131 : f32 to vector<648x2048xf32>
    %select_n3A_133 = arith.select %eq3A_130, %broadcast_in_dim3A_132, %select_n3A_111 : vector<648x2048xi1>, vector<648x2048xf32>
    %reduce_min3A_134 = arith.constant dense<0x7F800000> : vector<648xf32>
    %reduce_min3A_135 = vector.multi_reduction <minimumf>, %select_n3A_133, %reduce_min3A_134 [1] : vector<648x2048xf32> to vector<648xf32>
    %broadcast_in_dim3A_136 = vector.shape_cast %reduce_min3A_135 : vector<648xf32> to vector<648x1xf32>
    %eq3A_137 = vector.broadcast %broadcast_in_dim3A_136 : vector<648x1xf32> to vector<648x2048xf32>
    %eq3A_138 = arith.cmpf oeq, %select_n3A_133, %eq3A_137 : vector<648x2048xf32>
    %jit3A_139 = arith.constant 1073741824 : i32
    %broadcast_in_dim3A_140 = vector.broadcast %jit3A_139 : i32 to vector<648x2048xi32>
    %select_n3A_141 = arith.select %eq3A_138, %add3A_23, %broadcast_in_dim3A_140 : vector<648x2048xi1>, vector<648x2048xi32>
    %reduce_min3A_142 = arith.constant dense<2147483647> : vector<648xi32>
    %reduce_min3A_143 = vector.multi_reduction <minsi>, %select_n3A_141, %reduce_min3A_142 [1] : vector<648x2048xi32> to vector<648xi32>
    %broadcast_in_dim3A_144 = vector.shape_cast %reduce_min3A_143 : vector<648xi32> to vector<648x1xi32>
    %swap3A_145 = arith.constant 0 : index
    %swap3A_146 = arith.constant 5 : index
    %swap3A_147 = vector.load %arg9[%swap3A_145, %swap3A_146] : memref<648x16xf32, #tpu.memory_space<vmem>>, vector<648x1xf32>
    tpu.vector_store %arg9[%swap3A_145, %swap3A_146], %broadcast_in_dim3A_136 {strides = array<i32>} : memref<648x16xf32, #tpu.memory_space<vmem>>, vector<648x1xf32>,
    %swap3A_148 = arith.constant 0 : index
    %swap3A_149 = arith.constant 5 : index
    %swap3A_150 = vector.load %arg10[%swap3A_148, %swap3A_149] : memref<648x16xi32, #tpu.memory_space<vmem>>, vector<648x1xi32>
    tpu.vector_store %arg10[%swap3A_148, %swap3A_149], %broadcast_in_dim3A_144 {strides = array<i32>} : memref<648x16xi32, #tpu.memory_space<vmem>>, vector<648x1xi32>,
    %eq3A_151 = vector.broadcast %broadcast_in_dim3A_144 : vector<648x1xi32> to vector<648x2048xi32>
    %eq3A_152 = arith.cmpi eq, %add3A_23, %eq3A_151 : vector<648x2048xi32>
    %jit3A_153 = arith.constant 1.000000e+30 : f32
    %broadcast_in_dim3A_154 = vector.broadcast %jit3A_153 : f32 to vector<648x2048xf32>
    %select_n3A_155 = arith.select %eq3A_152, %broadcast_in_dim3A_154, %select_n3A_133 : vector<648x2048xi1>, vector<648x2048xf32>
    %reduce_min3A_156 = arith.constant dense<0x7F800000> : vector<648xf32>
    %reduce_min3A_157 = vector.multi_reduction <minimumf>, %select_n3A_155, %reduce_min3A_156 [1] : vector<648x2048xf32> to vector<648xf32>
    %broadcast_in_dim3A_158 = vector.shape_cast %reduce_min3A_157 : vector<648xf32> to vector<648x1xf32>
    %eq3A_159 = vector.broadcast %broadcast_in_dim3A_158 : vector<648x1xf32> to vector<648x2048xf32>
    %eq3A_160 = arith.cmpf oeq, %select_n3A_155, %eq3A_159 : vector<648x2048xf32>
    %jit3A_161 = arith.constant 1073741824 : i32
    %broadcast_in_dim3A_162 = vector.broadcast %jit3A_161 : i32 to vector<648x2048xi32>
    %select_n3A_163 = arith.select %eq3A_160, %add3A_23, %broadcast_in_dim3A_162 : vector<648x2048xi1>, vector<648x2048xi32>
    %reduce_min3A_164 = arith.constant dense<2147483647> : vector<648xi32>
    %reduce_min3A_165 = vector.multi_reduction <minsi>, %select_n3A_163, %reduce_min3A_164 [1] : vector<648x2048xi32> to vector<648xi32>
    %broadcast_in_dim3A_166 = vector.shape_cast %reduce_min3A_165 : vector<648xi32> to vector<648x1xi32>
    %swap3A_167 = arith.constant 0 : index
    %swap3A_168 = arith.constant 6 : index
    %swap3A_169 = vector.load %arg9[%swap3A_167, %swap3A_168] : memref<648x16xf32, #tpu.memory_space<vmem>>, vector<648x1xf32>
    tpu.vector_store %arg9[%swap3A_167, %swap3A_168], %broadcast_in_dim3A_158 {strides = array<i32>} : memref<648x16xf32, #tpu.memory_space<vmem>>, vector<648x1xf32>,
    %swap3A_170 = arith.constant 0 : index
    %swap3A_171 = arith.constant 6 : index
    %swap3A_172 = vector.load %arg10[%swap3A_170, %swap3A_171] : memref<648x16xi32, #tpu.memory_space<vmem>>, vector<648x1xi32>
    tpu.vector_store %arg10[%swap3A_170, %swap3A_171], %broadcast_in_dim3A_166 {strides = array<i32>} : memref<648x16xi32, #tpu.memory_space<vmem>>, vector<648x1xi32>,
    %eq3A_173 = vector.broadcast %broadcast_in_dim3A_166 : vector<648x1xi32> to vector<648x2048xi32>
    %eq3A_174 = arith.cmpi eq, %add3A_23, %eq3A_173 : vector<648x2048xi32>
    %jit3A_175 = arith.constant 1.000000e+30 : f32
    %broadcast_in_dim3A_176 = vector.broadcast %jit3A_175 : f32 to vector<648x2048xf32>
    %select_n3A_177 = arith.select %eq3A_174, %broadcast_in_dim3A_176, %select_n3A_155 : vector<648x2048xi1>, vector<648x2048xf32>
    %reduce_min3A_178 = arith.constant dense<0x7F800000> : vector<648xf32>
    %reduce_min3A_179 = vector.multi_reduction <minimumf>, %select_n3A_177, %reduce_min3A_178 [1] : vector<648x2048xf32> to vector<648xf32>
    %broadcast_in_dim3A_180 = vector.shape_cast %reduce_min3A_179 : vector<648xf32> to vector<648x1xf32>
    %eq3A_181 = vector.broadcast %broadcast_in_dim3A_180 : vector<648x1xf32> to vector<648x2048xf32>
    %eq3A_182 = arith.cmpf oeq, %select_n3A_177, %eq3A_181 : vector<648x2048xf32>
    %jit3A_183 = arith.constant 1073741824 : i32
    %broadcast_in_dim3A_184 = vector.broadcast %jit3A_183 : i32 to vector<648x2048xi32>
    %select_n3A_185 = arith.select %eq3A_182, %add3A_23, %broadcast_in_dim3A_184 : vector<648x2048xi1>, vector<648x2048xi32>
    %reduce_min3A_186 = arith.constant dense<2147483647> : vector<648xi32>
    %reduce_min3A_187 = vector.multi_reduction <minsi>, %select_n3A_185, %reduce_min3A_186 [1] : vector<648x2048xi32> to vector<648xi32>
    %broadcast_in_dim3A_188 = vector.shape_cast %reduce_min3A_187 : vector<648xi32> to vector<648x1xi32>
    %swap3A_189 = arith.constant 0 : index
    %swap3A_190 = arith.constant 7 : index
    %swap3A_191 = vector.load %arg9[%swap3A_189, %swap3A_190] : memref<648x16xf32, #tpu.memory_space<vmem>>, vector<648x1xf32>
    tpu.vector_store %arg9[%swap3A_189, %swap3A_190], %broadcast_in_dim3A_180 {strides = array<i32>} : memref<648x16xf32, #tpu.memory_space<vmem>>, vector<648x1xf32>,
    %swap3A_192 = arith.constant 0 : index
    %swap3A_193 = arith.constant 7 : index
    %swap3A_194 = vector.load %arg10[%swap3A_192, %swap3A_193] : memref<648x16xi32, #tpu.memory_space<vmem>>, vector<648x1xi32>
    tpu.vector_store %arg10[%swap3A_192, %swap3A_193], %broadcast_in_dim3A_188 {strides = array<i32>} : memref<648x16xi32, #tpu.memory_space<vmem>>, vector<648x1xi32>,
    %eq3A_195 = vector.broadcast %broadcast_in_dim3A_188 : vector<648x1xi32> to vector<648x2048xi32>
    %eq3A_196 = arith.cmpi eq, %add3A_23, %eq3A_195 : vector<648x2048xi32>
    %jit3A_197 = arith.constant 1.000000e+30 : f32
    %broadcast_in_dim3A_198 = vector.broadcast %jit3A_197 : f32 to vector<648x2048xf32>
    %select_n3A_199 = arith.select %eq3A_196, %broadcast_in_dim3A_198, %select_n3A_177 : vector<648x2048xi1>, vector<648x2048xf32>
    %reduce_min3A_200 = arith.constant dense<0x7F800000> : vector<648xf32>
    %reduce_min3A_201 = vector.multi_reduction <minimumf>, %select_n3A_199, %reduce_min3A_200 [1] : vector<648x2048xf32> to vector<648xf32>
    %broadcast_in_dim3A_202 = vector.shape_cast %reduce_min3A_201 : vector<648xf32> to vector<648x1xf32>
    %eq3A_203 = vector.broadcast %broadcast_in_dim3A_202 : vector<648x1xf32> to vector<648x2048xf32>
    %eq3A_204 = arith.cmpf oeq, %select_n3A_199, %eq3A_203 : vector<648x2048xf32>
    %jit3A_205 = arith.constant 1073741824 : i32
    %broadcast_in_dim3A_206 = vector.broadcast %jit3A_205 : i32 to vector<648x2048xi32>
    %select_n3A_207 = arith.select %eq3A_204, %add3A_23, %broadcast_in_dim3A_206 : vector<648x2048xi1>, vector<648x2048xi32>
    %reduce_min3A_208 = arith.constant dense<2147483647> : vector<648xi32>
    %reduce_min3A_209 = vector.multi_reduction <minsi>, %select_n3A_207, %reduce_min3A_208 [1] : vector<648x2048xi32> to vector<648xi32>
    %broadcast_in_dim3A_210 = vector.shape_cast %reduce_min3A_209 : vector<648xi32> to vector<648x1xi32>
    %swap3A_211 = arith.constant 0 : index
    %swap3A_212 = arith.constant 8 : index
    %swap3A_213 = vector.load %arg9[%swap3A_211, %swap3A_212] : memref<648x16xf32, #tpu.memory_space<vmem>>, vector<648x1xf32>
    tpu.vector_store %arg9[%swap3A_211, %swap3A_212], %broadcast_in_dim3A_202 {strides = array<i32>} : memref<648x16xf32, #tpu.memory_space<vmem>>, vector<648x1xf32>,
    %swap3A_214 = arith.constant 0 : index
    %swap3A_215 = arith.constant 8 : index
    %swap3A_216 = vector.load %arg10[%swap3A_214, %swap3A_215] : memref<648x16xi32, #tpu.memory_space<vmem>>, vector<648x1xi32>
    tpu.vector_store %arg10[%swap3A_214, %swap3A_215], %broadcast_in_dim3A_210 {strides = array<i32>} : memref<648x16xi32, #tpu.memory_space<vmem>>, vector<648x1xi32>,
    %eq3A_217 = vector.broadcast %broadcast_in_dim3A_210 : vector<648x1xi32> to vector<648x2048xi32>
    %eq3A_218 = arith.cmpi eq, %add3A_23, %eq3A_217 : vector<648x2048xi32>
    %jit3A_219 = arith.constant 1.000000e+30 : f32
    %broadcast_in_dim3A_220 = vector.broadcast %jit3A_219 : f32 to vector<648x2048xf32>
    %select_n3A_221 = arith.select %eq3A_218, %broadcast_in_dim3A_220, %select_n3A_199 : vector<648x2048xi1>, vector<648x2048xf32>
    %reduce_min3A_222 = arith.constant dense<0x7F800000> : vector<648xf32>
    %reduce_min3A_223 = vector.multi_reduction <minimumf>, %select_n3A_221, %reduce_min3A_222 [1] : vector<648x2048xf32> to vector<648xf32>
    %broadcast_in_dim3A_224 = vector.shape_cast %reduce_min3A_223 : vector<648xf32> to vector<648x1xf32>
    %eq3A_225 = vector.broadcast %broadcast_in_dim3A_224 : vector<648x1xf32> to vector<648x2048xf32>
    %eq3A_226 = arith.cmpf oeq, %select_n3A_221, %eq3A_225 : vector<648x2048xf32>
    %jit3A_227 = arith.constant 1073741824 : i32
    %broadcast_in_dim3A_228 = vector.broadcast %jit3A_227 : i32 to vector<648x2048xi32>
    %select_n3A_229 = arith.select %eq3A_226, %add3A_23, %broadcast_in_dim3A_228 : vector<648x2048xi1>, vector<648x2048xi32>
    %reduce_min3A_230 = arith.constant dense<2147483647> : vector<648xi32>
    %reduce_min3A_231 = vector.multi_reduction <minsi>, %select_n3A_229, %reduce_min3A_230 [1] : vector<648x2048xi32> to vector<648xi32>
    %broadcast_in_dim3A_232 = vector.shape_cast %reduce_min3A_231 : vector<648xi32> to vector<648x1xi32>
    %swap3A_233 = arith.constant 0 : index
    %swap3A_234 = arith.constant 9 : index
    %swap3A_235 = vector.load %arg9[%swap3A_233, %swap3A_234] : memref<648x16xf32, #tpu.memory_space<vmem>>, vector<648x1xf32>
    tpu.vector_store %arg9[%swap3A_233, %swap3A_234], %broadcast_in_dim3A_224 {strides = array<i32>} : memref<648x16xf32, #tpu.memory_space<vmem>>, vector<648x1xf32>,
    %swap3A_236 = arith.constant 0 : index
    %swap3A_237 = arith.constant 9 : index
    %swap3A_238 = vector.load %arg10[%swap3A_236, %swap3A_237] : memref<648x16xi32, #tpu.memory_space<vmem>>, vector<648x1xi32>
    tpu.vector_store %arg10[%swap3A_236, %swap3A_237], %broadcast_in_dim3A_232 {strides = array<i32>} : memref<648x16xi32, #tpu.memory_space<vmem>>, vector<648x1xi32>,
    %eq3A_239 = vector.broadcast %broadcast_in_dim3A_232 : vector<648x1xi32> to vector<648x2048xi32>
    %eq3A_240 = arith.cmpi eq, %add3A_23, %eq3A_239 : vector<648x2048xi32>
    %jit3A_241 = arith.constant 1.000000e+30 : f32
    %broadcast_in_dim3A_242 = vector.broadcast %jit3A_241 : f32 to vector<648x2048xf32>
    %select_n3A_243 = arith.select %eq3A_240, %broadcast_in_dim3A_242, %select_n3A_221 : vector<648x2048xi1>, vector<648x2048xf32>
    %reduce_min3A_244 = arith.constant dense<0x7F800000> : vector<648xf32>
    %reduce_min3A_245 = vector.multi_reduction <minimumf>, %select_n3A_243, %reduce_min3A_244 [1] : vector<648x2048xf32> to vector<648xf32>
    %broadcast_in_dim3A_246 = vector.shape_cast %reduce_min3A_245 : vector<648xf32> to vector<648x1xf32>
    %eq3A_247 = vector.broadcast %broadcast_in_dim3A_246 : vector<648x1xf32> to vector<648x2048xf32>
    %eq3A_248 = arith.cmpf oeq, %select_n3A_243, %eq3A_247 : vector<648x2048xf32>
    %jit3A_249 = arith.constant 1073741824 : i32
    %broadcast_in_dim3A_250 = vector.broadcast %jit3A_249 : i32 to vector<648x2048xi32>
    %select_n3A_251 = arith.select %eq3A_248, %add3A_23, %broadcast_in_dim3A_250 : vector<648x2048xi1>, vector<648x2048xi32>
    %reduce_min3A_252 = arith.constant dense<2147483647> : vector<648xi32>
    %reduce_min3A_253 = vector.multi_reduction <minsi>, %select_n3A_251, %reduce_min3A_252 [1] : vector<648x2048xi32> to vector<648xi32>
    %broadcast_in_dim3A_254 = vector.shape_cast %reduce_min3A_253 : vector<648xi32> to vector<648x1xi32>
    %swap3A_255 = arith.constant 0 : index
    %swap3A_256 = arith.constant 10 : index
    %swap3A_257 = vector.load %arg9[%swap3A_255, %swap3A_256] : memref<648x16xf32, #tpu.memory_space<vmem>>, vector<648x1xf32>
    tpu.vector_store %arg9[%swap3A_255, %swap3A_256], %broadcast_in_dim3A_246 {strides = array<i32>} : memref<648x16xf32, #tpu.memory_space<vmem>>, vector<648x1xf32>,
    %swap3A_258 = arith.constant 0 : index
    %swap3A_259 = arith.constant 10 : index
    %swap3A_260 = vector.load %arg10[%swap3A_258, %swap3A_259] : memref<648x16xi32, #tpu.memory_space<vmem>>, vector<648x1xi32>
    tpu.vector_store %arg10[%swap3A_258, %swap3A_259], %broadcast_in_dim3A_254 {strides = array<i32>} : memref<648x16xi32, #tpu.memory_space<vmem>>, vector<648x1xi32>,
    %eq3A_261 = vector.broadcast %broadcast_in_dim3A_254 : vector<648x1xi32> to vector<648x2048xi32>
    %eq3A_262 = arith.cmpi eq, %add3A_23, %eq3A_261 : vector<648x2048xi32>
    %jit3A_263 = arith.constant 1.000000e+30 : f32
    %broadcast_in_dim3A_264 = vector.broadcast %jit3A_263 : f32 to vector<648x2048xf32>
    %select_n3A_265 = arith.select %eq3A_262, %broadcast_in_dim3A_264, %select_n3A_243 : vector<648x2048xi1>, vector<648x2048xf32>
    %reduce_min3A_266 = arith.constant dense<0x7F800000> : vector<648xf32>
    %reduce_min3A_267 = vector.multi_reduction <minimumf>, %select_n3A_265, %reduce_min3A_266 [1] : vector<648x2048xf32> to vector<648xf32>
    %broadcast_in_dim3A_268 = vector.shape_cast %reduce_min3A_267 : vector<648xf32> to vector<648x1xf32>
    %eq3A_269 = vector.broadcast %broadcast_in_dim3A_268 : vector<648x1xf32> to vector<648x2048xf32>
    %eq3A_270 = arith.cmpf oeq, %select_n3A_265, %eq3A_269 : vector<648x2048xf32>
    %jit3A_271 = arith.constant 1073741824 : i32
    %broadcast_in_dim3A_272 = vector.broadcast %jit3A_271 : i32 to vector<648x2048xi32>
    %select_n3A_273 = arith.select %eq3A_270, %add3A_23, %broadcast_in_dim3A_272 : vector<648x2048xi1>, vector<648x2048xi32>
    %reduce_min3A_274 = arith.constant dense<2147483647> : vector<648xi32>
    %reduce_min3A_275 = vector.multi_reduction <minsi>, %select_n3A_273, %reduce_min3A_274 [1] : vector<648x2048xi32> to vector<648xi32>
    %broadcast_in_dim3A_276 = vector.shape_cast %reduce_min3A_275 : vector<648xi32> to vector<648x1xi32>
    %swap3A_277 = arith.constant 0 : index
    %swap3A_278 = arith.constant 11 : index
    %swap3A_279 = vector.load %arg9[%swap3A_277, %swap3A_278] : memref<648x16xf32, #tpu.memory_space<vmem>>, vector<648x1xf32>
    tpu.vector_store %arg9[%swap3A_277, %swap3A_278], %broadcast_in_dim3A_268 {strides = array<i32>} : memref<648x16xf32, #tpu.memory_space<vmem>>, vector<648x1xf32>,
    %swap3A_280 = arith.constant 0 : index
    %swap3A_281 = arith.constant 11 : index
    %swap3A_282 = vector.load %arg10[%swap3A_280, %swap3A_281] : memref<648x16xi32, #tpu.memory_space<vmem>>, vector<648x1xi32>
    tpu.vector_store %arg10[%swap3A_280, %swap3A_281], %broadcast_in_dim3A_276 {strides = array<i32>} : memref<648x16xi32, #tpu.memory_space<vmem>>, vector<648x1xi32>,
    %eq3A_283 = vector.broadcast %broadcast_in_dim3A_276 : vector<648x1xi32> to vector<648x2048xi32>
    %eq3A_284 = arith.cmpi eq, %add3A_23, %eq3A_283 : vector<648x2048xi32>
    %jit3A_285 = arith.constant 1.000000e+30 : f32
    %broadcast_in_dim3A_286 = vector.broadcast %jit3A_285 : f32 to vector<648x2048xf32>
    %select_n3A_287 = arith.select %eq3A_284, %broadcast_in_dim3A_286, %select_n3A_265 : vector<648x2048xi1>, vector<648x2048xf32>
    %reduce_min3A_288 = arith.constant dense<0x7F800000> : vector<648xf32>
    %reduce_min3A_289 = vector.multi_reduction <minimumf>, %select_n3A_287, %reduce_min3A_288 [1] : vector<648x2048xf32> to vector<648xf32>
    %broadcast_in_dim3A_290 = vector.shape_cast %reduce_min3A_289 : vector<648xf32> to vector<648x1xf32>
    %eq3A_291 = vector.broadcast %broadcast_in_dim3A_290 : vector<648x1xf32> to vector<648x2048xf32>
    %eq3A_292 = arith.cmpf oeq, %select_n3A_287, %eq3A_291 : vector<648x2048xf32>
    %jit3A_293 = arith.constant 1073741824 : i32
    %broadcast_in_dim3A_294 = vector.broadcast %jit3A_293 : i32 to vector<648x2048xi32>
    %select_n3A_295 = arith.select %eq3A_292, %add3A_23, %broadcast_in_dim3A_294 : vector<648x2048xi1>, vector<648x2048xi32>
    %reduce_min3A_296 = arith.constant dense<2147483647> : vector<648xi32>
    %reduce_min3A_297 = vector.multi_reduction <minsi>, %select_n3A_295, %reduce_min3A_296 [1] : vector<648x2048xi32> to vector<648xi32>
    %broadcast_in_dim3A_298 = vector.shape_cast %reduce_min3A_297 : vector<648xi32> to vector<648x1xi32>
    %swap3A_299 = arith.constant 0 : index
    %swap3A_300 = arith.constant 12 : index
    %swap3A_301 = vector.load %arg9[%swap3A_299, %swap3A_300] : memref<648x16xf32, #tpu.memory_space<vmem>>, vector<648x1xf32>
    tpu.vector_store %arg9[%swap3A_299, %swap3A_300], %broadcast_in_dim3A_290 {strides = array<i32>} : memref<648x16xf32, #tpu.memory_space<vmem>>, vector<648x1xf32>,
    %swap3A_302 = arith.constant 0 : index
    %swap3A_303 = arith.constant 12 : index
    %swap3A_304 = vector.load %arg10[%swap3A_302, %swap3A_303] : memref<648x16xi32, #tpu.memory_space<vmem>>, vector<648x1xi32>
    tpu.vector_store %arg10[%swap3A_302, %swap3A_303], %broadcast_in_dim3A_298 {strides = array<i32>} : memref<648x16xi32, #tpu.memory_space<vmem>>, vector<648x1xi32>,
    %eq3A_305 = vector.broadcast %broadcast_in_dim3A_298 : vector<648x1xi32> to vector<648x2048xi32>
    %eq3A_306 = arith.cmpi eq, %add3A_23, %eq3A_305 : vector<648x2048xi32>
    %jit3A_307 = arith.constant 1.000000e+30 : f32
    %broadcast_in_dim3A_308 = vector.broadcast %jit3A_307 : f32 to vector<648x2048xf32>
    %select_n3A_309 = arith.select %eq3A_306, %broadcast_in_dim3A_308, %select_n3A_287 : vector<648x2048xi1>, vector<648x2048xf32>
    %reduce_min3A_310 = arith.constant dense<0x7F800000> : vector<648xf32>
    %reduce_min3A_311 = vector.multi_reduction <minimumf>, %select_n3A_309, %reduce_min3A_310 [1] : vector<648x2048xf32> to vector<648xf32>
    %broadcast_in_dim3A_312 = vector.shape_cast %reduce_min3A_311 : vector<648xf32> to vector<648x1xf32>
    %eq3A_313 = vector.broadcast %broadcast_in_dim3A_312 : vector<648x1xf32> to vector<648x2048xf32>
    %eq3A_314 = arith.cmpf oeq, %select_n3A_309, %eq3A_313 : vector<648x2048xf32>
    %jit3A_315 = arith.constant 1073741824 : i32
    %broadcast_in_dim3A_316 = vector.broadcast %jit3A_315 : i32 to vector<648x2048xi32>
    %select_n3A_317 = arith.select %eq3A_314, %add3A_23, %broadcast_in_dim3A_316 : vector<648x2048xi1>, vector<648x2048xi32>
    %reduce_min3A_318 = arith.constant dense<2147483647> : vector<648xi32>
    %reduce_min3A_319 = vector.multi_reduction <minsi>, %select_n3A_317, %reduce_min3A_318 [1] : vector<648x2048xi32> to vector<648xi32>
    %broadcast_in_dim3A_320 = vector.shape_cast %reduce_min3A_319 : vector<648xi32> to vector<648x1xi32>
    %swap3A_321 = arith.constant 0 : index
    %swap3A_322 = arith.constant 13 : index
    %swap3A_323 = vector.load %arg9[%swap3A_321, %swap3A_322] : memref<648x16xf32, #tpu.memory_space<vmem>>, vector<648x1xf32>
    tpu.vector_store %arg9[%swap3A_321, %swap3A_322], %broadcast_in_dim3A_312 {strides = array<i32>} : memref<648x16xf32, #tpu.memory_space<vmem>>, vector<648x1xf32>,
    %swap3A_324 = arith.constant 0 : index
    %swap3A_325 = arith.constant 13 : index
    %swap3A_326 = vector.load %arg10[%swap3A_324, %swap3A_325] : memref<648x16xi32, #tpu.memory_space<vmem>>, vector<648x1xi32>
    tpu.vector_store %arg10[%swap3A_324, %swap3A_325], %broadcast_in_dim3A_320 {strides = array<i32>} : memref<648x16xi32, #tpu.memory_space<vmem>>, vector<648x1xi32>,
    %eq3A_327 = vector.broadcast %broadcast_in_dim3A_320 : vector<648x1xi32> to vector<648x2048xi32>
    %eq3A_328 = arith.cmpi eq, %add3A_23, %eq3A_327 : vector<648x2048xi32>
    %jit3A_329 = arith.constant 1.000000e+30 : f32
    %broadcast_in_dim3A_330 = vector.broadcast %jit3A_329 : f32 to vector<648x2048xf32>
    %select_n3A_331 = arith.select %eq3A_328, %broadcast_in_dim3A_330, %select_n3A_309 : vector<648x2048xi1>, vector<648x2048xf32>
    %reduce_min3A_332 = arith.constant dense<0x7F800000> : vector<648xf32>
    %reduce_min3A_333 = vector.multi_reduction <minimumf>, %select_n3A_331, %reduce_min3A_332 [1] : vector<648x2048xf32> to vector<648xf32>
    %broadcast_in_dim3A_334 = vector.shape_cast %reduce_min3A_333 : vector<648xf32> to vector<648x1xf32>
    %eq3A_335 = vector.broadcast %broadcast_in_dim3A_334 : vector<648x1xf32> to vector<648x2048xf32>
    %eq3A_336 = arith.cmpf oeq, %select_n3A_331, %eq3A_335 : vector<648x2048xf32>
    %jit3A_337 = arith.constant 1073741824 : i32
    %broadcast_in_dim3A_338 = vector.broadcast %jit3A_337 : i32 to vector<648x2048xi32>
    %select_n3A_339 = arith.select %eq3A_336, %add3A_23, %broadcast_in_dim3A_338 : vector<648x2048xi1>, vector<648x2048xi32>
    %reduce_min3A_340 = arith.constant dense<2147483647> : vector<648xi32>
    %reduce_min3A_341 = vector.multi_reduction <minsi>, %select_n3A_339, %reduce_min3A_340 [1] : vector<648x2048xi32> to vector<648xi32>
    %broadcast_in_dim3A_342 = vector.shape_cast %reduce_min3A_341 : vector<648xi32> to vector<648x1xi32>
    %swap3A_343 = arith.constant 0 : index
    %swap3A_344 = arith.constant 14 : index
    %swap3A_345 = vector.load %arg9[%swap3A_343, %swap3A_344] : memref<648x16xf32, #tpu.memory_space<vmem>>, vector<648x1xf32>
    tpu.vector_store %arg9[%swap3A_343, %swap3A_344], %broadcast_in_dim3A_334 {strides = array<i32>} : memref<648x16xf32, #tpu.memory_space<vmem>>, vector<648x1xf32>,
    %swap3A_346 = arith.constant 0 : index
    %swap3A_347 = arith.constant 14 : index
    %swap3A_348 = vector.load %arg10[%swap3A_346, %swap3A_347] : memref<648x16xi32, #tpu.memory_space<vmem>>, vector<648x1xi32>
    tpu.vector_store %arg10[%swap3A_346, %swap3A_347], %broadcast_in_dim3A_342 {strides = array<i32>} : memref<648x16xi32, #tpu.memory_space<vmem>>, vector<648x1xi32>,
    %eq3A_349 = vector.broadcast %broadcast_in_dim3A_342 : vector<648x1xi32> to vector<648x2048xi32>
    %eq3A_350 = arith.cmpi eq, %add3A_23, %eq3A_349 : vector<648x2048xi32>
    %jit3A_351 = arith.constant 1.000000e+30 : f32
    %broadcast_in_dim3A_352 = vector.broadcast %jit3A_351 : f32 to vector<648x2048xf32>
    %select_n3A_353 = arith.select %eq3A_350, %broadcast_in_dim3A_352, %select_n3A_331 : vector<648x2048xi1>, vector<648x2048xf32>
    %reduce_min3A_354 = arith.constant dense<0x7F800000> : vector<648xf32>
    %reduce_min3A_355 = vector.multi_reduction <minimumf>, %select_n3A_353, %reduce_min3A_354 [1] : vector<648x2048xf32> to vector<648xf32>
    %broadcast_in_dim3A_356 = vector.shape_cast %reduce_min3A_355 : vector<648xf32> to vector<648x1xf32>
    %eq3A_357 = vector.broadcast %broadcast_in_dim3A_356 : vector<648x1xf32> to vector<648x2048xf32>
    %eq3A_358 = arith.cmpf oeq, %select_n3A_353, %eq3A_357 : vector<648x2048xf32>
    %jit3A_359 = arith.constant 1073741824 : i32
    %broadcast_in_dim3A_360 = vector.broadcast %jit3A_359 : i32 to vector<648x2048xi32>
    %select_n3A_361 = arith.select %eq3A_358, %add3A_23, %broadcast_in_dim3A_360 : vector<648x2048xi1>, vector<648x2048xi32>
    %reduce_min3A_362 = arith.constant dense<2147483647> : vector<648xi32>
    %reduce_min3A_363 = vector.multi_reduction <minsi>, %select_n3A_361, %reduce_min3A_362 [1] : vector<648x2048xi32> to vector<648xi32>
    %broadcast_in_dim3A_364 = vector.shape_cast %reduce_min3A_363 : vector<648xi32> to vector<648x1xi32>
    %swap3A_365 = arith.constant 0 : index
    %swap3A_366 = arith.constant 15 : index
    %swap3A_367 = vector.load %arg9[%swap3A_365, %swap3A_366] : memref<648x16xf32, #tpu.memory_space<vmem>>, vector<648x1xf32>
    tpu.vector_store %arg9[%swap3A_365, %swap3A_366], %broadcast_in_dim3A_356 {strides = array<i32>} : memref<648x16xf32, #tpu.memory_space<vmem>>, vector<648x1xf32>,
    %swap3A_368 = arith.constant 0 : index
    %swap3A_369 = arith.constant 15 : index
    %swap3A_370 = vector.load %arg10[%swap3A_368, %swap3A_369] : memref<648x16xi32, #tpu.memory_space<vmem>>, vector<648x1xi32>
    tpu.vector_store %arg10[%swap3A_368, %swap3A_369], %broadcast_in_dim3A_364 {strides = array<i32>} : memref<648x16xi32, #tpu.memory_space<vmem>>, vector<648x1xi32>,
    %get3A_371 = arith.constant 0 : index
    %get3A_372 = arith.constant 0 : index
    %get3A_373 = vector.load %arg7[%get3A_371, %get3A_372] : memref<648x16xf32, #tpu.memory_space<vmem>>, vector<648x16xf32>
    %get3A_374 = arith.constant 0 : index
    %get3A_375 = arith.constant 0 : index
    %get3A_376 = vector.load %arg9[%get3A_374, %get3A_375] : memref<648x16xf32, #tpu.memory_space<vmem>>, vector<648x16xf32>
    %concatenate3A = tpu.concatenate %get3A_373, %get3A_376 in 1 : vector<648x16xf32>, vector<648x16xf32> -> vector<648x32xf32>
    %get3A_377 = arith.constant 0 : index
    %get3A_378 = arith.constant 0 : index
    %get3A_379 = vector.load %arg8[%get3A_377, %get3A_378] : memref<648x16xi32, #tpu.memory_space<vmem>>, vector<648x16xi32>
    %get3A_380 = arith.constant 0 : index
    %get3A_381 = arith.constant 0 : index
    %get3A_382 = vector.load %arg10[%get3A_380, %get3A_381] : memref<648x16xi32, #tpu.memory_space<vmem>>, vector<648x16xi32>
    %concatenate3A_383 = tpu.concatenate %get3A_379, %get3A_382 in 1 : vector<648x16xi32>, vector<648x16xi32> -> vector<648x32xi32>
    %reduce_min3A_384 = arith.constant dense<0x7F800000> : vector<648xf32>
    %reduce_min3A_385 = vector.multi_reduction <minimumf>, %concatenate3A, %reduce_min3A_384 [1] : vector<648x32xf32> to vector<648xf32>
    %broadcast_in_dim3A_386 = vector.shape_cast %reduce_min3A_385 : vector<648xf32> to vector<648x1xf32>
    %eq3A_387 = vector.broadcast %broadcast_in_dim3A_386 : vector<648x1xf32> to vector<648x32xf32>
    %eq3A_388 = arith.cmpf oeq, %concatenate3A, %eq3A_387 : vector<648x32xf32>
    %jit3A_389 = arith.constant 1073741824 : i32
    %broadcast_in_dim3A_390 = vector.broadcast %jit3A_389 : i32 to vector<648x32xi32>
    %select_n3A_391 = arith.select %eq3A_388, %concatenate3A_383, %broadcast_in_dim3A_390 : vector<648x32xi1>, vector<648x32xi32>
    %reduce_min3A_392 = arith.constant dense<2147483647> : vector<648xi32>
    %reduce_min3A_393 = vector.multi_reduction <minsi>, %select_n3A_391, %reduce_min3A_392 [1] : vector<648x32xi32> to vector<648xi32>
    %broadcast_in_dim3A_394 = vector.shape_cast %reduce_min3A_393 : vector<648xi32> to vector<648x1xi32>
    %swap3A_395 = arith.constant 0 : index
    %swap3A_396 = arith.constant 0 : index
    %swap3A_397 = vector.load %arg7[%swap3A_395, %swap3A_396] : memref<648x16xf32, #tpu.memory_space<vmem>>, vector<648x1xf32>
    tpu.vector_store %arg7[%swap3A_395, %swap3A_396], %broadcast_in_dim3A_386 {strides = array<i32>} : memref<648x16xf32, #tpu.memory_space<vmem>>, vector<648x1xf32>,
    %swap3A_398 = arith.constant 0 : index
    %swap3A_399 = arith.constant 0 : index
    %swap3A_400 = vector.load %arg8[%swap3A_398, %swap3A_399] : memref<648x16xi32, #tpu.memory_space<vmem>>, vector<648x1xi32>
    tpu.vector_store %arg8[%swap3A_398, %swap3A_399], %broadcast_in_dim3A_394 {strides = array<i32>} : memref<648x16xi32, #tpu.memory_space<vmem>>, vector<648x1xi32>,
    %eq3A_401 = vector.broadcast %broadcast_in_dim3A_394 : vector<648x1xi32> to vector<648x32xi32>
    %eq3A_402 = arith.cmpi eq, %concatenate3A_383, %eq3A_401 : vector<648x32xi32>
    %jit3A_403 = arith.constant 1.000000e+30 : f32
    %broadcast_in_dim3A_404 = vector.broadcast %jit3A_403 : f32 to vector<648x32xf32>
    %select_n3A_405 = arith.select %eq3A_402, %broadcast_in_dim3A_404, %concatenate3A : vector<648x32xi1>, vector<648x32xf32>
    %reduce_min3A_406 = arith.constant dense<0x7F800000> : vector<648xf32>
    %reduce_min3A_407 = vector.multi_reduction <minimumf>, %select_n3A_405, %reduce_min3A_406 [1] : vector<648x32xf32> to vector<648xf32>
    %broadcast_in_dim3A_408 = vector.shape_cast %reduce_min3A_407 : vector<648xf32> to vector<648x1xf32>
    %eq3A_409 = vector.broadcast %broadcast_in_dim3A_408 : vector<648x1xf32> to vector<648x32xf32>
    %eq3A_410 = arith.cmpf oeq, %select_n3A_405, %eq3A_409 : vector<648x32xf32>
    %jit3A_411 = arith.constant 1073741824 : i32
    %broadcast_in_dim3A_412 = vector.broadcast %jit3A_411 : i32 to vector<648x32xi32>
    %select_n3A_413 = arith.select %eq3A_410, %concatenate3A_383, %broadcast_in_dim3A_412 : vector<648x32xi1>, vector<648x32xi32>
    %reduce_min3A_414 = arith.constant dense<2147483647> : vector<648xi32>
    %reduce_min3A_415 = vector.multi_reduction <minsi>, %select_n3A_413, %reduce_min3A_414 [1] : vector<648x32xi32> to vector<648xi32>
    %broadcast_in_dim3A_416 = vector.shape_cast %reduce_min3A_415 : vector<648xi32> to vector<648x1xi32>
    %swap3A_417 = arith.constant 0 : index
    %swap3A_418 = arith.constant 1 : index
    %swap3A_419 = vector.load %arg7[%swap3A_417, %swap3A_418] : memref<648x16xf32, #tpu.memory_space<vmem>>, vector<648x1xf32>
    tpu.vector_store %arg7[%swap3A_417, %swap3A_418], %broadcast_in_dim3A_408 {strides = array<i32>} : memref<648x16xf32, #tpu.memory_space<vmem>>, vector<648x1xf32>,
    %swap3A_420 = arith.constant 0 : index
    %swap3A_421 = arith.constant 1 : index
    %swap3A_422 = vector.load %arg8[%swap3A_420, %swap3A_421] : memref<648x16xi32, #tpu.memory_space<vmem>>, vector<648x1xi32>
    tpu.vector_store %arg8[%swap3A_420, %swap3A_421], %broadcast_in_dim3A_416 {strides = array<i32>} : memref<648x16xi32, #tpu.memory_space<vmem>>, vector<648x1xi32>,
    %eq3A_423 = vector.broadcast %broadcast_in_dim3A_416 : vector<648x1xi32> to vector<648x32xi32>
    %eq3A_424 = arith.cmpi eq, %concatenate3A_383, %eq3A_423 : vector<648x32xi32>
    %jit3A_425 = arith.constant 1.000000e+30 : f32
    %broadcast_in_dim3A_426 = vector.broadcast %jit3A_425 : f32 to vector<648x32xf32>
    %select_n3A_427 = arith.select %eq3A_424, %broadcast_in_dim3A_426, %select_n3A_405 : vector<648x32xi1>, vector<648x32xf32>
    %reduce_min3A_428 = arith.constant dense<0x7F800000> : vector<648xf32>
    %reduce_min3A_429 = vector.multi_reduction <minimumf>, %select_n3A_427, %reduce_min3A_428 [1] : vector<648x32xf32> to vector<648xf32>
    %broadcast_in_dim3A_430 = vector.shape_cast %reduce_min3A_429 : vector<648xf32> to vector<648x1xf32>
    %eq3A_431 = vector.broadcast %broadcast_in_dim3A_430 : vector<648x1xf32> to vector<648x32xf32>
    %eq3A_432 = arith.cmpf oeq, %select_n3A_427, %eq3A_431 : vector<648x32xf32>
    %jit3A_433 = arith.constant 1073741824 : i32
    %broadcast_in_dim3A_434 = vector.broadcast %jit3A_433 : i32 to vector<648x32xi32>
    %select_n3A_435 = arith.select %eq3A_432, %concatenate3A_383, %broadcast_in_dim3A_434 : vector<648x32xi1>, vector<648x32xi32>
    %reduce_min3A_436 = arith.constant dense<2147483647> : vector<648xi32>
    %reduce_min3A_437 = vector.multi_reduction <minsi>, %select_n3A_435, %reduce_min3A_436 [1] : vector<648x32xi32> to vector<648xi32>
    %broadcast_in_dim3A_438 = vector.shape_cast %reduce_min3A_437 : vector<648xi32> to vector<648x1xi32>
    %swap3A_439 = arith.constant 0 : index
    %swap3A_440 = arith.constant 2 : index
    %swap3A_441 = vector.load %arg7[%swap3A_439, %swap3A_440] : memref<648x16xf32, #tpu.memory_space<vmem>>, vector<648x1xf32>
    tpu.vector_store %arg7[%swap3A_439, %swap3A_440], %broadcast_in_dim3A_430 {strides = array<i32>} : memref<648x16xf32, #tpu.memory_space<vmem>>, vector<648x1xf32>,
    %swap3A_442 = arith.constant 0 : index
    %swap3A_443 = arith.constant 2 : index
    %swap3A_444 = vector.load %arg8[%swap3A_442, %swap3A_443] : memref<648x16xi32, #tpu.memory_space<vmem>>, vector<648x1xi32>
    tpu.vector_store %arg8[%swap3A_442, %swap3A_443], %broadcast_in_dim3A_438 {strides = array<i32>} : memref<648x16xi32, #tpu.memory_space<vmem>>, vector<648x1xi32>,
    %eq3A_445 = vector.broadcast %broadcast_in_dim3A_438 : vector<648x1xi32> to vector<648x32xi32>
    %eq3A_446 = arith.cmpi eq, %concatenate3A_383, %eq3A_445 : vector<648x32xi32>
    %jit3A_447 = arith.constant 1.000000e+30 : f32
    %broadcast_in_dim3A_448 = vector.broadcast %jit3A_447 : f32 to vector<648x32xf32>
    %select_n3A_449 = arith.select %eq3A_446, %broadcast_in_dim3A_448, %select_n3A_427 : vector<648x32xi1>, vector<648x32xf32>
    %reduce_min3A_450 = arith.constant dense<0x7F800000> : vector<648xf32>
    %reduce_min3A_451 = vector.multi_reduction <minimumf>, %select_n3A_449, %reduce_min3A_450 [1] : vector<648x32xf32> to vector<648xf32>
    %broadcast_in_dim3A_452 = vector.shape_cast %reduce_min3A_451 : vector<648xf32> to vector<648x1xf32>
    %eq3A_453 = vector.broadcast %broadcast_in_dim3A_452 : vector<648x1xf32> to vector<648x32xf32>
    %eq3A_454 = arith.cmpf oeq, %select_n3A_449, %eq3A_453 : vector<648x32xf32>
    %jit3A_455 = arith.constant 1073741824 : i32
    %broadcast_in_dim3A_456 = vector.broadcast %jit3A_455 : i32 to vector<648x32xi32>
    %select_n3A_457 = arith.select %eq3A_454, %concatenate3A_383, %broadcast_in_dim3A_456 : vector<648x32xi1>, vector<648x32xi32>
    %reduce_min3A_458 = arith.constant dense<2147483647> : vector<648xi32>
    %reduce_min3A_459 = vector.multi_reduction <minsi>, %select_n3A_457, %reduce_min3A_458 [1] : vector<648x32xi32> to vector<648xi32>
    %broadcast_in_dim3A_460 = vector.shape_cast %reduce_min3A_459 : vector<648xi32> to vector<648x1xi32>
    %swap3A_461 = arith.constant 0 : index
    %swap3A_462 = arith.constant 3 : index
    %swap3A_463 = vector.load %arg7[%swap3A_461, %swap3A_462] : memref<648x16xf32, #tpu.memory_space<vmem>>, vector<648x1xf32>
    tpu.vector_store %arg7[%swap3A_461, %swap3A_462], %broadcast_in_dim3A_452 {strides = array<i32>} : memref<648x16xf32, #tpu.memory_space<vmem>>, vector<648x1xf32>,
    %swap3A_464 = arith.constant 0 : index
    %swap3A_465 = arith.constant 3 : index
    %swap3A_466 = vector.load %arg8[%swap3A_464, %swap3A_465] : memref<648x16xi32, #tpu.memory_space<vmem>>, vector<648x1xi32>
    tpu.vector_store %arg8[%swap3A_464, %swap3A_465], %broadcast_in_dim3A_460 {strides = array<i32>} : memref<648x16xi32, #tpu.memory_space<vmem>>, vector<648x1xi32>,
    %eq3A_467 = vector.broadcast %broadcast_in_dim3A_460 : vector<648x1xi32> to vector<648x32xi32>
    %eq3A_468 = arith.cmpi eq, %concatenate3A_383, %eq3A_467 : vector<648x32xi32>
    %jit3A_469 = arith.constant 1.000000e+30 : f32
    %broadcast_in_dim3A_470 = vector.broadcast %jit3A_469 : f32 to vector<648x32xf32>
    %select_n3A_471 = arith.select %eq3A_468, %broadcast_in_dim3A_470, %select_n3A_449 : vector<648x32xi1>, vector<648x32xf32>
    %reduce_min3A_472 = arith.constant dense<0x7F800000> : vector<648xf32>
    %reduce_min3A_473 = vector.multi_reduction <minimumf>, %select_n3A_471, %reduce_min3A_472 [1] : vector<648x32xf32> to vector<648xf32>
    %broadcast_in_dim3A_474 = vector.shape_cast %reduce_min3A_473 : vector<648xf32> to vector<648x1xf32>
    %eq3A_475 = vector.broadcast %broadcast_in_dim3A_474 : vector<648x1xf32> to vector<648x32xf32>
    %eq3A_476 = arith.cmpf oeq, %select_n3A_471, %eq3A_475 : vector<648x32xf32>
    %jit3A_477 = arith.constant 1073741824 : i32
    %broadcast_in_dim3A_478 = vector.broadcast %jit3A_477 : i32 to vector<648x32xi32>
    %select_n3A_479 = arith.select %eq3A_476, %concatenate3A_383, %broadcast_in_dim3A_478 : vector<648x32xi1>, vector<648x32xi32>
    %reduce_min3A_480 = arith.constant dense<2147483647> : vector<648xi32>
    %reduce_min3A_481 = vector.multi_reduction <minsi>, %select_n3A_479, %reduce_min3A_480 [1] : vector<648x32xi32> to vector<648xi32>
    %broadcast_in_dim3A_482 = vector.shape_cast %reduce_min3A_481 : vector<648xi32> to vector<648x1xi32>
    %swap3A_483 = arith.constant 0 : index
    %swap3A_484 = arith.constant 4 : index
    %swap3A_485 = vector.load %arg7[%swap3A_483, %swap3A_484] : memref<648x16xf32, #tpu.memory_space<vmem>>, vector<648x1xf32>
    tpu.vector_store %arg7[%swap3A_483, %swap3A_484], %broadcast_in_dim3A_474 {strides = array<i32>} : memref<648x16xf32, #tpu.memory_space<vmem>>, vector<648x1xf32>,
    %swap3A_486 = arith.constant 0 : index
    %swap3A_487 = arith.constant 4 : index
    %swap3A_488 = vector.load %arg8[%swap3A_486, %swap3A_487] : memref<648x16xi32, #tpu.memory_space<vmem>>, vector<648x1xi32>
    tpu.vector_store %arg8[%swap3A_486, %swap3A_487], %broadcast_in_dim3A_482 {strides = array<i32>} : memref<648x16xi32, #tpu.memory_space<vmem>>, vector<648x1xi32>,
    %eq3A_489 = vector.broadcast %broadcast_in_dim3A_482 : vector<648x1xi32> to vector<648x32xi32>
    %eq3A_490 = arith.cmpi eq, %concatenate3A_383, %eq3A_489 : vector<648x32xi32>
    %jit3A_491 = arith.constant 1.000000e+30 : f32
    %broadcast_in_dim3A_492 = vector.broadcast %jit3A_491 : f32 to vector<648x32xf32>
    %select_n3A_493 = arith.select %eq3A_490, %broadcast_in_dim3A_492, %select_n3A_471 : vector<648x32xi1>, vector<648x32xf32>
    %reduce_min3A_494 = arith.constant dense<0x7F800000> : vector<648xf32>
    %reduce_min3A_495 = vector.multi_reduction <minimumf>, %select_n3A_493, %reduce_min3A_494 [1] : vector<648x32xf32> to vector<648xf32>
    %broadcast_in_dim3A_496 = vector.shape_cast %reduce_min3A_495 : vector<648xf32> to vector<648x1xf32>
    %eq3A_497 = vector.broadcast %broadcast_in_dim3A_496 : vector<648x1xf32> to vector<648x32xf32>
    %eq3A_498 = arith.cmpf oeq, %select_n3A_493, %eq3A_497 : vector<648x32xf32>
    %jit3A_499 = arith.constant 1073741824 : i32
    %broadcast_in_dim3A_500 = vector.broadcast %jit3A_499 : i32 to vector<648x32xi32>
    %select_n3A_501 = arith.select %eq3A_498, %concatenate3A_383, %broadcast_in_dim3A_500 : vector<648x32xi1>, vector<648x32xi32>
    %reduce_min3A_502 = arith.constant dense<2147483647> : vector<648xi32>
    %reduce_min3A_503 = vector.multi_reduction <minsi>, %select_n3A_501, %reduce_min3A_502 [1] : vector<648x32xi32> to vector<648xi32>
    %broadcast_in_dim3A_504 = vector.shape_cast %reduce_min3A_503 : vector<648xi32> to vector<648x1xi32>
    %swap3A_505 = arith.constant 0 : index
    %swap3A_506 = arith.constant 5 : index
    %swap3A_507 = vector.load %arg7[%swap3A_505, %swap3A_506] : memref<648x16xf32, #tpu.memory_space<vmem>>, vector<648x1xf32>
    tpu.vector_store %arg7[%swap3A_505, %swap3A_506], %broadcast_in_dim3A_496 {strides = array<i32>} : memref<648x16xf32, #tpu.memory_space<vmem>>, vector<648x1xf32>,
    %swap3A_508 = arith.constant 0 : index
    %swap3A_509 = arith.constant 5 : index
    %swap3A_510 = vector.load %arg8[%swap3A_508, %swap3A_509] : memref<648x16xi32, #tpu.memory_space<vmem>>, vector<648x1xi32>
    tpu.vector_store %arg8[%swap3A_508, %swap3A_509], %broadcast_in_dim3A_504 {strides = array<i32>} : memref<648x16xi32, #tpu.memory_space<vmem>>, vector<648x1xi32>,
    %eq3A_511 = vector.broadcast %broadcast_in_dim3A_504 : vector<648x1xi32> to vector<648x32xi32>
    %eq3A_512 = arith.cmpi eq, %concatenate3A_383, %eq3A_511 : vector<648x32xi32>
    %jit3A_513 = arith.constant 1.000000e+30 : f32
    %broadcast_in_dim3A_514 = vector.broadcast %jit3A_513 : f32 to vector<648x32xf32>
    %select_n3A_515 = arith.select %eq3A_512, %broadcast_in_dim3A_514, %select_n3A_493 : vector<648x32xi1>, vector<648x32xf32>
    %reduce_min3A_516 = arith.constant dense<0x7F800000> : vector<648xf32>
    %reduce_min3A_517 = vector.multi_reduction <minimumf>, %select_n3A_515, %reduce_min3A_516 [1] : vector<648x32xf32> to vector<648xf32>
    %broadcast_in_dim3A_518 = vector.shape_cast %reduce_min3A_517 : vector<648xf32> to vector<648x1xf32>
    %eq3A_519 = vector.broadcast %broadcast_in_dim3A_518 : vector<648x1xf32> to vector<648x32xf32>
    %eq3A_520 = arith.cmpf oeq, %select_n3A_515, %eq3A_519 : vector<648x32xf32>
    %jit3A_521 = arith.constant 1073741824 : i32
    %broadcast_in_dim3A_522 = vector.broadcast %jit3A_521 : i32 to vector<648x32xi32>
    %select_n3A_523 = arith.select %eq3A_520, %concatenate3A_383, %broadcast_in_dim3A_522 : vector<648x32xi1>, vector<648x32xi32>
    %reduce_min3A_524 = arith.constant dense<2147483647> : vector<648xi32>
    %reduce_min3A_525 = vector.multi_reduction <minsi>, %select_n3A_523, %reduce_min3A_524 [1] : vector<648x32xi32> to vector<648xi32>
    %broadcast_in_dim3A_526 = vector.shape_cast %reduce_min3A_525 : vector<648xi32> to vector<648x1xi32>
    %swap3A_527 = arith.constant 0 : index
    %swap3A_528 = arith.constant 6 : index
    %swap3A_529 = vector.load %arg7[%swap3A_527, %swap3A_528] : memref<648x16xf32, #tpu.memory_space<vmem>>, vector<648x1xf32>
    tpu.vector_store %arg7[%swap3A_527, %swap3A_528], %broadcast_in_dim3A_518 {strides = array<i32>} : memref<648x16xf32, #tpu.memory_space<vmem>>, vector<648x1xf32>,
    %swap3A_530 = arith.constant 0 : index
    %swap3A_531 = arith.constant 6 : index
    %swap3A_532 = vector.load %arg8[%swap3A_530, %swap3A_531] : memref<648x16xi32, #tpu.memory_space<vmem>>, vector<648x1xi32>
    tpu.vector_store %arg8[%swap3A_530, %swap3A_531], %broadcast_in_dim3A_526 {strides = array<i32>} : memref<648x16xi32, #tpu.memory_space<vmem>>, vector<648x1xi32>,
    %eq3A_533 = vector.broadcast %broadcast_in_dim3A_526 : vector<648x1xi32> to vector<648x32xi32>
    %eq3A_534 = arith.cmpi eq, %concatenate3A_383, %eq3A_533 : vector<648x32xi32>
    %jit3A_535 = arith.constant 1.000000e+30 : f32
    %broadcast_in_dim3A_536 = vector.broadcast %jit3A_535 : f32 to vector<648x32xf32>
    %select_n3A_537 = arith.select %eq3A_534, %broadcast_in_dim3A_536, %select_n3A_515 : vector<648x32xi1>, vector<648x32xf32>
    %reduce_min3A_538 = arith.constant dense<0x7F800000> : vector<648xf32>
    %reduce_min3A_539 = vector.multi_reduction <minimumf>, %select_n3A_537, %reduce_min3A_538 [1] : vector<648x32xf32> to vector<648xf32>
    %broadcast_in_dim3A_540 = vector.shape_cast %reduce_min3A_539 : vector<648xf32> to vector<648x1xf32>
    %eq3A_541 = vector.broadcast %broadcast_in_dim3A_540 : vector<648x1xf32> to vector<648x32xf32>
    %eq3A_542 = arith.cmpf oeq, %select_n3A_537, %eq3A_541 : vector<648x32xf32>
    %jit3A_543 = arith.constant 1073741824 : i32
    %broadcast_in_dim3A_544 = vector.broadcast %jit3A_543 : i32 to vector<648x32xi32>
    %select_n3A_545 = arith.select %eq3A_542, %concatenate3A_383, %broadcast_in_dim3A_544 : vector<648x32xi1>, vector<648x32xi32>
    %reduce_min3A_546 = arith.constant dense<2147483647> : vector<648xi32>
    %reduce_min3A_547 = vector.multi_reduction <minsi>, %select_n3A_545, %reduce_min3A_546 [1] : vector<648x32xi32> to vector<648xi32>
    %broadcast_in_dim3A_548 = vector.shape_cast %reduce_min3A_547 : vector<648xi32> to vector<648x1xi32>
    %swap3A_549 = arith.constant 0 : index
    %swap3A_550 = arith.constant 7 : index
    %swap3A_551 = vector.load %arg7[%swap3A_549, %swap3A_550] : memref<648x16xf32, #tpu.memory_space<vmem>>, vector<648x1xf32>
    tpu.vector_store %arg7[%swap3A_549, %swap3A_550], %broadcast_in_dim3A_540 {strides = array<i32>} : memref<648x16xf32, #tpu.memory_space<vmem>>, vector<648x1xf32>,
    %swap3A_552 = arith.constant 0 : index
    %swap3A_553 = arith.constant 7 : index
    %swap3A_554 = vector.load %arg8[%swap3A_552, %swap3A_553] : memref<648x16xi32, #tpu.memory_space<vmem>>, vector<648x1xi32>
    tpu.vector_store %arg8[%swap3A_552, %swap3A_553], %broadcast_in_dim3A_548 {strides = array<i32>} : memref<648x16xi32, #tpu.memory_space<vmem>>, vector<648x1xi32>,
    %eq3A_555 = vector.broadcast %broadcast_in_dim3A_548 : vector<648x1xi32> to vector<648x32xi32>
    %eq3A_556 = arith.cmpi eq, %concatenate3A_383, %eq3A_555 : vector<648x32xi32>
    %jit3A_557 = arith.constant 1.000000e+30 : f32
    %broadcast_in_dim3A_558 = vector.broadcast %jit3A_557 : f32 to vector<648x32xf32>
    %select_n3A_559 = arith.select %eq3A_556, %broadcast_in_dim3A_558, %select_n3A_537 : vector<648x32xi1>, vector<648x32xf32>
    %reduce_min3A_560 = arith.constant dense<0x7F800000> : vector<648xf32>
    %reduce_min3A_561 = vector.multi_reduction <minimumf>, %select_n3A_559, %reduce_min3A_560 [1] : vector<648x32xf32> to vector<648xf32>
    %broadcast_in_dim3A_562 = vector.shape_cast %reduce_min3A_561 : vector<648xf32> to vector<648x1xf32>
    %eq3A_563 = vector.broadcast %broadcast_in_dim3A_562 : vector<648x1xf32> to vector<648x32xf32>
    %eq3A_564 = arith.cmpf oeq, %select_n3A_559, %eq3A_563 : vector<648x32xf32>
    %jit3A_565 = arith.constant 1073741824 : i32
    %broadcast_in_dim3A_566 = vector.broadcast %jit3A_565 : i32 to vector<648x32xi32>
    %select_n3A_567 = arith.select %eq3A_564, %concatenate3A_383, %broadcast_in_dim3A_566 : vector<648x32xi1>, vector<648x32xi32>
    %reduce_min3A_568 = arith.constant dense<2147483647> : vector<648xi32>
    %reduce_min3A_569 = vector.multi_reduction <minsi>, %select_n3A_567, %reduce_min3A_568 [1] : vector<648x32xi32> to vector<648xi32>
    %broadcast_in_dim3A_570 = vector.shape_cast %reduce_min3A_569 : vector<648xi32> to vector<648x1xi32>
    %swap3A_571 = arith.constant 0 : index
    %swap3A_572 = arith.constant 8 : index
    %swap3A_573 = vector.load %arg7[%swap3A_571, %swap3A_572] : memref<648x16xf32, #tpu.memory_space<vmem>>, vector<648x1xf32>
    tpu.vector_store %arg7[%swap3A_571, %swap3A_572], %broadcast_in_dim3A_562 {strides = array<i32>} : memref<648x16xf32, #tpu.memory_space<vmem>>, vector<648x1xf32>,
    %swap3A_574 = arith.constant 0 : index
    %swap3A_575 = arith.constant 8 : index
    %swap3A_576 = vector.load %arg8[%swap3A_574, %swap3A_575] : memref<648x16xi32, #tpu.memory_space<vmem>>, vector<648x1xi32>
    tpu.vector_store %arg8[%swap3A_574, %swap3A_575], %broadcast_in_dim3A_570 {strides = array<i32>} : memref<648x16xi32, #tpu.memory_space<vmem>>, vector<648x1xi32>,
    %eq3A_577 = vector.broadcast %broadcast_in_dim3A_570 : vector<648x1xi32> to vector<648x32xi32>
    %eq3A_578 = arith.cmpi eq, %concatenate3A_383, %eq3A_577 : vector<648x32xi32>
    %jit3A_579 = arith.constant 1.000000e+30 : f32
    %broadcast_in_dim3A_580 = vector.broadcast %jit3A_579 : f32 to vector<648x32xf32>
    %select_n3A_581 = arith.select %eq3A_578, %broadcast_in_dim3A_580, %select_n3A_559 : vector<648x32xi1>, vector<648x32xf32>
    %reduce_min3A_582 = arith.constant dense<0x7F800000> : vector<648xf32>
    %reduce_min3A_583 = vector.multi_reduction <minimumf>, %select_n3A_581, %reduce_min3A_582 [1] : vector<648x32xf32> to vector<648xf32>
    %broadcast_in_dim3A_584 = vector.shape_cast %reduce_min3A_583 : vector<648xf32> to vector<648x1xf32>
    %eq3A_585 = vector.broadcast %broadcast_in_dim3A_584 : vector<648x1xf32> to vector<648x32xf32>
    %eq3A_586 = arith.cmpf oeq, %select_n3A_581, %eq3A_585 : vector<648x32xf32>
    %jit3A_587 = arith.constant 1073741824 : i32
    %broadcast_in_dim3A_588 = vector.broadcast %jit3A_587 : i32 to vector<648x32xi32>
    %select_n3A_589 = arith.select %eq3A_586, %concatenate3A_383, %broadcast_in_dim3A_588 : vector<648x32xi1>, vector<648x32xi32>
    %reduce_min3A_590 = arith.constant dense<2147483647> : vector<648xi32>
    %reduce_min3A_591 = vector.multi_reduction <minsi>, %select_n3A_589, %reduce_min3A_590 [1] : vector<648x32xi32> to vector<648xi32>
    %broadcast_in_dim3A_592 = vector.shape_cast %reduce_min3A_591 : vector<648xi32> to vector<648x1xi32>
    %swap3A_593 = arith.constant 0 : index
    %swap3A_594 = arith.constant 9 : index
    %swap3A_595 = vector.load %arg7[%swap3A_593, %swap3A_594] : memref<648x16xf32, #tpu.memory_space<vmem>>, vector<648x1xf32>
    tpu.vector_store %arg7[%swap3A_593, %swap3A_594], %broadcast_in_dim3A_584 {strides = array<i32>} : memref<648x16xf32, #tpu.memory_space<vmem>>, vector<648x1xf32>,
    %swap3A_596 = arith.constant 0 : index
    %swap3A_597 = arith.constant 9 : index
    %swap3A_598 = vector.load %arg8[%swap3A_596, %swap3A_597] : memref<648x16xi32, #tpu.memory_space<vmem>>, vector<648x1xi32>
    tpu.vector_store %arg8[%swap3A_596, %swap3A_597], %broadcast_in_dim3A_592 {strides = array<i32>} : memref<648x16xi32, #tpu.memory_space<vmem>>, vector<648x1xi32>,
    %eq3A_599 = vector.broadcast %broadcast_in_dim3A_592 : vector<648x1xi32> to vector<648x32xi32>
    %eq3A_600 = arith.cmpi eq, %concatenate3A_383, %eq3A_599 : vector<648x32xi32>
    %jit3A_601 = arith.constant 1.000000e+30 : f32
    %broadcast_in_dim3A_602 = vector.broadcast %jit3A_601 : f32 to vector<648x32xf32>
    %select_n3A_603 = arith.select %eq3A_600, %broadcast_in_dim3A_602, %select_n3A_581 : vector<648x32xi1>, vector<648x32xf32>
    %reduce_min3A_604 = arith.constant dense<0x7F800000> : vector<648xf32>
    %reduce_min3A_605 = vector.multi_reduction <minimumf>, %select_n3A_603, %reduce_min3A_604 [1] : vector<648x32xf32> to vector<648xf32>
    %broadcast_in_dim3A_606 = vector.shape_cast %reduce_min3A_605 : vector<648xf32> to vector<648x1xf32>
    %eq3A_607 = vector.broadcast %broadcast_in_dim3A_606 : vector<648x1xf32> to vector<648x32xf32>
    %eq3A_608 = arith.cmpf oeq, %select_n3A_603, %eq3A_607 : vector<648x32xf32>
    %jit3A_609 = arith.constant 1073741824 : i32
    %broadcast_in_dim3A_610 = vector.broadcast %jit3A_609 : i32 to vector<648x32xi32>
    %select_n3A_611 = arith.select %eq3A_608, %concatenate3A_383, %broadcast_in_dim3A_610 : vector<648x32xi1>, vector<648x32xi32>
    %reduce_min3A_612 = arith.constant dense<2147483647> : vector<648xi32>
    %reduce_min3A_613 = vector.multi_reduction <minsi>, %select_n3A_611, %reduce_min3A_612 [1] : vector<648x32xi32> to vector<648xi32>
    %broadcast_in_dim3A_614 = vector.shape_cast %reduce_min3A_613 : vector<648xi32> to vector<648x1xi32>
    %swap3A_615 = arith.constant 0 : index
    %swap3A_616 = arith.constant 10 : index
    %swap3A_617 = vector.load %arg7[%swap3A_615, %swap3A_616] : memref<648x16xf32, #tpu.memory_space<vmem>>, vector<648x1xf32>
    tpu.vector_store %arg7[%swap3A_615, %swap3A_616], %broadcast_in_dim3A_606 {strides = array<i32>} : memref<648x16xf32, #tpu.memory_space<vmem>>, vector<648x1xf32>,
    %swap3A_618 = arith.constant 0 : index
    %swap3A_619 = arith.constant 10 : index
    %swap3A_620 = vector.load %arg8[%swap3A_618, %swap3A_619] : memref<648x16xi32, #tpu.memory_space<vmem>>, vector<648x1xi32>
    tpu.vector_store %arg8[%swap3A_618, %swap3A_619], %broadcast_in_dim3A_614 {strides = array<i32>} : memref<648x16xi32, #tpu.memory_space<vmem>>, vector<648x1xi32>,
    %eq3A_621 = vector.broadcast %broadcast_in_dim3A_614 : vector<648x1xi32> to vector<648x32xi32>
    %eq3A_622 = arith.cmpi eq, %concatenate3A_383, %eq3A_621 : vector<648x32xi32>
    %jit3A_623 = arith.constant 1.000000e+30 : f32
    %broadcast_in_dim3A_624 = vector.broadcast %jit3A_623 : f32 to vector<648x32xf32>
    %select_n3A_625 = arith.select %eq3A_622, %broadcast_in_dim3A_624, %select_n3A_603 : vector<648x32xi1>, vector<648x32xf32>
    %reduce_min3A_626 = arith.constant dense<0x7F800000> : vector<648xf32>
    %reduce_min3A_627 = vector.multi_reduction <minimumf>, %select_n3A_625, %reduce_min3A_626 [1] : vector<648x32xf32> to vector<648xf32>
    %broadcast_in_dim3A_628 = vector.shape_cast %reduce_min3A_627 : vector<648xf32> to vector<648x1xf32>
    %eq3A_629 = vector.broadcast %broadcast_in_dim3A_628 : vector<648x1xf32> to vector<648x32xf32>
    %eq3A_630 = arith.cmpf oeq, %select_n3A_625, %eq3A_629 : vector<648x32xf32>
    %jit3A_631 = arith.constant 1073741824 : i32
    %broadcast_in_dim3A_632 = vector.broadcast %jit3A_631 : i32 to vector<648x32xi32>
    %select_n3A_633 = arith.select %eq3A_630, %concatenate3A_383, %broadcast_in_dim3A_632 : vector<648x32xi1>, vector<648x32xi32>
    %reduce_min3A_634 = arith.constant dense<2147483647> : vector<648xi32>
    %reduce_min3A_635 = vector.multi_reduction <minsi>, %select_n3A_633, %reduce_min3A_634 [1] : vector<648x32xi32> to vector<648xi32>
    %broadcast_in_dim3A_636 = vector.shape_cast %reduce_min3A_635 : vector<648xi32> to vector<648x1xi32>
    %swap3A_637 = arith.constant 0 : index
    %swap3A_638 = arith.constant 11 : index
    %swap3A_639 = vector.load %arg7[%swap3A_637, %swap3A_638] : memref<648x16xf32, #tpu.memory_space<vmem>>, vector<648x1xf32>
    tpu.vector_store %arg7[%swap3A_637, %swap3A_638], %broadcast_in_dim3A_628 {strides = array<i32>} : memref<648x16xf32, #tpu.memory_space<vmem>>, vector<648x1xf32>,
    %swap3A_640 = arith.constant 0 : index
    %swap3A_641 = arith.constant 11 : index
    %swap3A_642 = vector.load %arg8[%swap3A_640, %swap3A_641] : memref<648x16xi32, #tpu.memory_space<vmem>>, vector<648x1xi32>
    tpu.vector_store %arg8[%swap3A_640, %swap3A_641], %broadcast_in_dim3A_636 {strides = array<i32>} : memref<648x16xi32, #tpu.memory_space<vmem>>, vector<648x1xi32>,
    %eq3A_643 = vector.broadcast %broadcast_in_dim3A_636 : vector<648x1xi32> to vector<648x32xi32>
    %eq3A_644 = arith.cmpi eq, %concatenate3A_383, %eq3A_643 : vector<648x32xi32>
    %jit3A_645 = arith.constant 1.000000e+30 : f32
    %broadcast_in_dim3A_646 = vector.broadcast %jit3A_645 : f32 to vector<648x32xf32>
    %select_n3A_647 = arith.select %eq3A_644, %broadcast_in_dim3A_646, %select_n3A_625 : vector<648x32xi1>, vector<648x32xf32>
    %reduce_min3A_648 = arith.constant dense<0x7F800000> : vector<648xf32>
    %reduce_min3A_649 = vector.multi_reduction <minimumf>, %select_n3A_647, %reduce_min3A_648 [1] : vector<648x32xf32> to vector<648xf32>
    %broadcast_in_dim3A_650 = vector.shape_cast %reduce_min3A_649 : vector<648xf32> to vector<648x1xf32>
    %eq3A_651 = vector.broadcast %broadcast_in_dim3A_650 : vector<648x1xf32> to vector<648x32xf32>
    %eq3A_652 = arith.cmpf oeq, %select_n3A_647, %eq3A_651 : vector<648x32xf32>
    %jit3A_653 = arith.constant 1073741824 : i32
    %broadcast_in_dim3A_654 = vector.broadcast %jit3A_653 : i32 to vector<648x32xi32>
    %select_n3A_655 = arith.select %eq3A_652, %concatenate3A_383, %broadcast_in_dim3A_654 : vector<648x32xi1>, vector<648x32xi32>
    %reduce_min3A_656 = arith.constant dense<2147483647> : vector<648xi32>
    %reduce_min3A_657 = vector.multi_reduction <minsi>, %select_n3A_655, %reduce_min3A_656 [1] : vector<648x32xi32> to vector<648xi32>
    %broadcast_in_dim3A_658 = vector.shape_cast %reduce_min3A_657 : vector<648xi32> to vector<648x1xi32>
    %swap3A_659 = arith.constant 0 : index
    %swap3A_660 = arith.constant 12 : index
    %swap3A_661 = vector.load %arg7[%swap3A_659, %swap3A_660] : memref<648x16xf32, #tpu.memory_space<vmem>>, vector<648x1xf32>
    tpu.vector_store %arg7[%swap3A_659, %swap3A_660], %broadcast_in_dim3A_650 {strides = array<i32>} : memref<648x16xf32, #tpu.memory_space<vmem>>, vector<648x1xf32>,
    %swap3A_662 = arith.constant 0 : index
    %swap3A_663 = arith.constant 12 : index
    %swap3A_664 = vector.load %arg8[%swap3A_662, %swap3A_663] : memref<648x16xi32, #tpu.memory_space<vmem>>, vector<648x1xi32>
    tpu.vector_store %arg8[%swap3A_662, %swap3A_663], %broadcast_in_dim3A_658 {strides = array<i32>} : memref<648x16xi32, #tpu.memory_space<vmem>>, vector<648x1xi32>,
    %eq3A_665 = vector.broadcast %broadcast_in_dim3A_658 : vector<648x1xi32> to vector<648x32xi32>
    %eq3A_666 = arith.cmpi eq, %concatenate3A_383, %eq3A_665 : vector<648x32xi32>
    %jit3A_667 = arith.constant 1.000000e+30 : f32
    %broadcast_in_dim3A_668 = vector.broadcast %jit3A_667 : f32 to vector<648x32xf32>
    %select_n3A_669 = arith.select %eq3A_666, %broadcast_in_dim3A_668, %select_n3A_647 : vector<648x32xi1>, vector<648x32xf32>
    %reduce_min3A_670 = arith.constant dense<0x7F800000> : vector<648xf32>
    %reduce_min3A_671 = vector.multi_reduction <minimumf>, %select_n3A_669, %reduce_min3A_670 [1] : vector<648x32xf32> to vector<648xf32>
    %broadcast_in_dim3A_672 = vector.shape_cast %reduce_min3A_671 : vector<648xf32> to vector<648x1xf32>
    %eq3A_673 = vector.broadcast %broadcast_in_dim3A_672 : vector<648x1xf32> to vector<648x32xf32>
    %eq3A_674 = arith.cmpf oeq, %select_n3A_669, %eq3A_673 : vector<648x32xf32>
    %jit3A_675 = arith.constant 1073741824 : i32
    %broadcast_in_dim3A_676 = vector.broadcast %jit3A_675 : i32 to vector<648x32xi32>
    %select_n3A_677 = arith.select %eq3A_674, %concatenate3A_383, %broadcast_in_dim3A_676 : vector<648x32xi1>, vector<648x32xi32>
    %reduce_min3A_678 = arith.constant dense<2147483647> : vector<648xi32>
    %reduce_min3A_679 = vector.multi_reduction <minsi>, %select_n3A_677, %reduce_min3A_678 [1] : vector<648x32xi32> to vector<648xi32>
    %broadcast_in_dim3A_680 = vector.shape_cast %reduce_min3A_679 : vector<648xi32> to vector<648x1xi32>
    %swap3A_681 = arith.constant 0 : index
    %swap3A_682 = arith.constant 13 : index
    %swap3A_683 = vector.load %arg7[%swap3A_681, %swap3A_682] : memref<648x16xf32, #tpu.memory_space<vmem>>, vector<648x1xf32>
    tpu.vector_store %arg7[%swap3A_681, %swap3A_682], %broadcast_in_dim3A_672 {strides = array<i32>} : memref<648x16xf32, #tpu.memory_space<vmem>>, vector<648x1xf32>,
    %swap3A_684 = arith.constant 0 : index
    %swap3A_685 = arith.constant 13 : index
    %swap3A_686 = vector.load %arg8[%swap3A_684, %swap3A_685] : memref<648x16xi32, #tpu.memory_space<vmem>>, vector<648x1xi32>
    tpu.vector_store %arg8[%swap3A_684, %swap3A_685], %broadcast_in_dim3A_680 {strides = array<i32>} : memref<648x16xi32, #tpu.memory_space<vmem>>, vector<648x1xi32>,
    %eq3A_687 = vector.broadcast %broadcast_in_dim3A_680 : vector<648x1xi32> to vector<648x32xi32>
    %eq3A_688 = arith.cmpi eq, %concatenate3A_383, %eq3A_687 : vector<648x32xi32>
    %jit3A_689 = arith.constant 1.000000e+30 : f32
    %broadcast_in_dim3A_690 = vector.broadcast %jit3A_689 : f32 to vector<648x32xf32>
    %select_n3A_691 = arith.select %eq3A_688, %broadcast_in_dim3A_690, %select_n3A_669 : vector<648x32xi1>, vector<648x32xf32>
    %reduce_min3A_692 = arith.constant dense<0x7F800000> : vector<648xf32>
    %reduce_min3A_693 = vector.multi_reduction <minimumf>, %select_n3A_691, %reduce_min3A_692 [1] : vector<648x32xf32> to vector<648xf32>
    %broadcast_in_dim3A_694 = vector.shape_cast %reduce_min3A_693 : vector<648xf32> to vector<648x1xf32>
    %eq3A_695 = vector.broadcast %broadcast_in_dim3A_694 : vector<648x1xf32> to vector<648x32xf32>
    %eq3A_696 = arith.cmpf oeq, %select_n3A_691, %eq3A_695 : vector<648x32xf32>
    %jit3A_697 = arith.constant 1073741824 : i32
    %broadcast_in_dim3A_698 = vector.broadcast %jit3A_697 : i32 to vector<648x32xi32>
    %select_n3A_699 = arith.select %eq3A_696, %concatenate3A_383, %broadcast_in_dim3A_698 : vector<648x32xi1>, vector<648x32xi32>
    %reduce_min3A_700 = arith.constant dense<2147483647> : vector<648xi32>
    %reduce_min3A_701 = vector.multi_reduction <minsi>, %select_n3A_699, %reduce_min3A_700 [1] : vector<648x32xi32> to vector<648xi32>
    %broadcast_in_dim3A_702 = vector.shape_cast %reduce_min3A_701 : vector<648xi32> to vector<648x1xi32>
    %swap3A_703 = arith.constant 0 : index
    %swap3A_704 = arith.constant 14 : index
    %swap3A_705 = vector.load %arg7[%swap3A_703, %swap3A_704] : memref<648x16xf32, #tpu.memory_space<vmem>>, vector<648x1xf32>
    tpu.vector_store %arg7[%swap3A_703, %swap3A_704], %broadcast_in_dim3A_694 {strides = array<i32>} : memref<648x16xf32, #tpu.memory_space<vmem>>, vector<648x1xf32>,
    %swap3A_706 = arith.constant 0 : index
    %swap3A_707 = arith.constant 14 : index
    %swap3A_708 = vector.load %arg8[%swap3A_706, %swap3A_707] : memref<648x16xi32, #tpu.memory_space<vmem>>, vector<648x1xi32>
    tpu.vector_store %arg8[%swap3A_706, %swap3A_707], %broadcast_in_dim3A_702 {strides = array<i32>} : memref<648x16xi32, #tpu.memory_space<vmem>>, vector<648x1xi32>,
    %eq3A_709 = vector.broadcast %broadcast_in_dim3A_702 : vector<648x1xi32> to vector<648x32xi32>
    %eq3A_710 = arith.cmpi eq, %concatenate3A_383, %eq3A_709 : vector<648x32xi32>
    %jit3A_711 = arith.constant 1.000000e+30 : f32
    %broadcast_in_dim3A_712 = vector.broadcast %jit3A_711 : f32 to vector<648x32xf32>
    %select_n3A_713 = arith.select %eq3A_710, %broadcast_in_dim3A_712, %select_n3A_691 : vector<648x32xi1>, vector<648x32xf32>
    %reduce_min3A_714 = arith.constant dense<0x7F800000> : vector<648xf32>
    %reduce_min3A_715 = vector.multi_reduction <minimumf>, %select_n3A_713, %reduce_min3A_714 [1] : vector<648x32xf32> to vector<648xf32>
    %broadcast_in_dim3A_716 = vector.shape_cast %reduce_min3A_715 : vector<648xf32> to vector<648x1xf32>
    %eq3A_717 = vector.broadcast %broadcast_in_dim3A_716 : vector<648x1xf32> to vector<648x32xf32>
    %eq3A_718 = arith.cmpf oeq, %select_n3A_713, %eq3A_717 : vector<648x32xf32>
    %jit3A_719 = arith.constant 1073741824 : i32
    %broadcast_in_dim3A_720 = vector.broadcast %jit3A_719 : i32 to vector<648x32xi32>
    %select_n3A_721 = arith.select %eq3A_718, %concatenate3A_383, %broadcast_in_dim3A_720 : vector<648x32xi1>, vector<648x32xi32>
    %reduce_min3A_722 = arith.constant dense<2147483647> : vector<648xi32>
    %reduce_min3A_723 = vector.multi_reduction <minsi>, %select_n3A_721, %reduce_min3A_722 [1] : vector<648x32xi32> to vector<648xi32>
    %broadcast_in_dim3A_724 = vector.shape_cast %reduce_min3A_723 : vector<648xi32> to vector<648x1xi32>
    %swap3A_725 = arith.constant 0 : index
    %swap3A_726 = arith.constant 15 : index
    %swap3A_727 = vector.load %arg7[%swap3A_725, %swap3A_726] : memref<648x16xf32, #tpu.memory_space<vmem>>, vector<648x1xf32>
    tpu.vector_store %arg7[%swap3A_725, %swap3A_726], %broadcast_in_dim3A_716 {strides = array<i32>} : memref<648x16xf32, #tpu.memory_space<vmem>>, vector<648x1xf32>,
    %swap3A_728 = arith.constant 0 : index
    %swap3A_729 = arith.constant 15 : index
    %swap3A_730 = vector.load %arg8[%swap3A_728, %swap3A_729] : memref<648x16xi32, #tpu.memory_space<vmem>>, vector<648x1xi32>
    tpu.vector_store %arg8[%swap3A_728, %swap3A_729], %broadcast_in_dim3A_724 {strides = array<i32>} : memref<648x16xi32, #tpu.memory_space<vmem>>, vector<648x1xi32>,
    %eq3A_731 = arith.constant 31 : i32
    %eq3A_732 = arith.cmpi eq, %arg0, %eq3A_731 : i32
    %convert_element_type3A_733 = arith.extui %eq3A_732 : i1 to i32
    %cond3A_734 = arith.constant 0 : i32
    %cond3A_735 = arith.cmpi ne, %convert_element_type3A_733, %cond3A_734 : i32
    scf.if %cond3A_735 {
      %get3A_736 = arith.constant 0 : index
      %get3A_737 = arith.constant 0 : index
      %get3A_738 = vector.load %arg7[%get3A_736, %get3A_737] : memref<648x16xf32, #tpu.memory_space<vmem>>, vector<648x16xf32>
      %swap3A_739 = arith.constant 0 : index
      %swap3A_740 = arith.constant 0 : index
      %swap3A_741 = vector.load %arg5[%swap3A_739, %swap3A_740] : memref<648x16xf32, #tpu.memory_space<vmem>>, vector<648x16xf32>
      tpu.vector_store %arg5[%swap3A_739, %swap3A_740], %get3A_738 {strides = array<i32>} : memref<648x16xf32, #tpu.memory_space<vmem>>, vector<648x16xf32>,
      %get3A_742 = arith.constant 0 : index
      %get3A_743 = arith.constant 0 : index
      %get3A_744 = vector.load %arg8[%get3A_742, %get3A_743] : memref<648x16xi32, #tpu.memory_space<vmem>>, vector<648x16xi32>
      %swap3A_745 = arith.constant 0 : index
      %swap3A_746 = arith.constant 0 : index
      %swap3A_747 = vector.load %arg6[%swap3A_745, %swap3A_746] : memref<648x16xi32, #tpu.memory_space<vmem>>, vector<648x16xi32>
      tpu.vector_store %arg6[%swap3A_745, %swap3A_746], %get3A_744 {strides = array<i32>} : memref<648x16xi32, #tpu.memory_space<vmem>>, vector<648x16xi32>,
    } else {
    }
    return
  }
  func.func @transform_0(%arg0: i32) -> (i32, i32) {
    %c0_i32 = arith.constant 0 : i32
    %c0_i32_0 = arith.constant 0 : i32
    %c0_i32_1 = arith.constant 0 : i32
    return %c0_i32, %c0_i32_0 : i32, i32
  }
  func.func @transform_1(%arg0: i32) -> (i32, i32) {
    %c0_i32 = arith.constant 0 : i32
    %c0_i32_0 = arith.constant 0 : i32
    return %c0_i32, %arg0 : i32, i32
  }
  func.func @transform_2(%arg0: i32) -> (i32, i32) {
    %c0_i32 = arith.constant 0 : i32
    %c0_i32_0 = arith.constant 0 : i32
    %c0_i32_1 = arith.constant 0 : i32
    return %c0_i32, %c0_i32_0 : i32, i32
  }
  func.func @transform_3(%arg0: i32) -> (i32, i32) {
    %c0_i32 = arith.constant 0 : i32
    %c0_i32_0 = arith.constant 0 : i32
    return %c0_i32, %arg0 : i32, i32
  }
  func.func @transform_4(%arg0: i32) -> (i32, i32) {
    %c0_i32 = arith.constant 0 : i32
    %c0_i32_0 = arith.constant 0 : i32
    %c0_i32_1 = arith.constant 0 : i32
    return %c0_i32, %c0_i32_0 : i32, i32
  }
  func.func @transform_5(%arg0: i32) -> (i32, i32) {
    %c0_i32 = arith.constant 0 : i32
    %c0_i32_0 = arith.constant 0 : i32
    %c0_i32_1 = arith.constant 0 : i32
    return %c0_i32, %c0_i32_0 : i32, i32
  }
}

module attributes {stable_mosaic.version = 14 : i64} {
  func.func @_attn_body(%arg0: i32, %arg1: memref<1x648x16x128xf32, #tpu.memory_space<vmem>>, %arg2: memref<1x648x16x128xf32, #tpu.memory_space<vmem>>, %arg3: memref<648x16xf32, #tpu.memory_space<vmem>>, %arg4: memref<648x3xf32, #tpu.memory_space<vmem>>, %arg5: memref<128x256xf32, #tpu.memory_space<vmem>>, %arg6: memref<3x256xf32, #tpu.memory_space<vmem>>, %arg7: memref<256x256xf32, #tpu.memory_space<vmem>>, %arg8: memref<256x256xf32, #tpu.memory_space<vmem>>, %arg9: memref<256x256xf32, #tpu.memory_space<vmem>>, %arg10: memref<1x256xf32, #tpu.memory_space<vmem>>, %arg11: memref<1x256xf32, #tpu.memory_space<vmem>>, %arg12: memref<1x256xf32, #tpu.memory_space<vmem>>, %arg13: memref<1x256xf32, #tpu.memory_space<vmem>>, %arg14: memref<1x256xf32, #tpu.memory_space<vmem>>, %arg15: memref<1x256xf32, #tpu.memory_space<vmem>>, %arg16: memref<1x256xf32, #tpu.memory_space<vmem>>, %arg17: memref<1x648x256xf32, #tpu.memory_space<vmem>>) attributes {dimension_semantics = [#tpu.dimension_semantics<arbitrary>], iteration_bounds = array<i64: 2>, scalar_prefetch = 0 : i64, scratch_operands = 0 : i64, tpu.core_type = #tpu.core_type<tc>, window_params = [{transform_indices = @transform_0, window_bounds = array<i64: 1, 648, 16, 128>}, {transform_indices = @transform_1, window_bounds = array<i64: 1, 648, 16, 128>}, {pipeline_mode = #tpu.pipeline_mode<synchronous>, transform_indices = @transform_2, window_bounds = array<i64: 648, 16>}, {pipeline_mode = #tpu.pipeline_mode<synchronous>, transform_indices = @transform_3, window_bounds = array<i64: 648, 3>}, {pipeline_mode = #tpu.pipeline_mode<synchronous>, transform_indices = @transform_4, window_bounds = array<i64: 128, 256>}, {pipeline_mode = #tpu.pipeline_mode<synchronous>, transform_indices = @transform_5, window_bounds = array<i64: 3, 256>}, {pipeline_mode = #tpu.pipeline_mode<synchronous>, transform_indices = @transform_6, window_bounds = array<i64: 256, 256>}, {pipeline_mode = #tpu.pipeline_mode<synchronous>, transform_indices = @transform_7, window_bounds = array<i64: 256, 256>}, {pipeline_mode = #tpu.pipeline_mode<synchronous>, transform_indices = @transform_8, window_bounds = array<i64: 256, 256>}, {pipeline_mode = #tpu.pipeline_mode<synchronous>, transform_indices = @transform_9, window_bounds = array<i64: 1, 256>}, {pipeline_mode = #tpu.pipeline_mode<synchronous>, transform_indices = @transform_10, window_bounds = array<i64: 1, 256>}, {pipeline_mode = #tpu.pipeline_mode<synchronous>, transform_indices = @transform_11, window_bounds = array<i64: 1, 256>}, {pipeline_mode = #tpu.pipeline_mode<synchronous>, transform_indices = @transform_12, window_bounds = array<i64: 1, 256>}, {pipeline_mode = #tpu.pipeline_mode<synchronous>, transform_indices = @transform_13, window_bounds = array<i64: 1, 256>}, {pipeline_mode = #tpu.pipeline_mode<synchronous>, transform_indices = @transform_14, window_bounds = array<i64: 1, 256>}, {pipeline_mode = #tpu.pipeline_mode<synchronous>, transform_indices = @transform_15, window_bounds = array<i64: 1, 256>}, {transform_indices = @transform_16, window_bounds = array<i64: 1, 648, 256>}]} {
    %get3A = arith.constant 0 : index
    %get3A_0 = arith.constant 0 : index
    %get3A_1 = vector.load %arg5[%get3A, %get3A_0] : memref<128x256xf32, #tpu.memory_space<vmem>>, vector<128x256xf32>
    %get3A_2 = arith.constant 0 : index
    %get3A_3 = arith.constant 0 : index
    %get3A_4 = vector.load %arg6[%get3A_2, %get3A_3] : memref<3x256xf32, #tpu.memory_space<vmem>>, vector<3x256xf32>
    %get3A_5 = arith.constant 0 : index
    %get3A_6 = arith.constant 0 : index
    %get3A_7 = vector.load %arg7[%get3A_5, %get3A_6] : memref<256x256xf32, #tpu.memory_space<vmem>>, vector<256x256xf32>
    %get3A_8 = arith.constant 0 : index
    %get3A_9 = arith.constant 0 : index
    %get3A_10 = vector.load %arg8[%get3A_8, %get3A_9] : memref<256x256xf32, #tpu.memory_space<vmem>>, vector<256x256xf32>
    %get3A_11 = arith.constant 0 : index
    %get3A_12 = arith.constant 0 : index
    %get3A_13 = vector.load %arg9[%get3A_11, %get3A_12] : memref<256x256xf32, #tpu.memory_space<vmem>>, vector<256x256xf32>
    %get3A_14 = arith.constant 0 : index
    %get3A_15 = arith.constant 0 : index
    %get3A_16 = vector.load %arg10[%get3A_14, %get3A_15] : memref<1x256xf32, #tpu.memory_space<vmem>>, vector<1x256xf32>
    %get3A_17 = arith.constant 0 : index
    %get3A_18 = arith.constant 0 : index
    %get3A_19 = vector.load %arg11[%get3A_17, %get3A_18] : memref<1x256xf32, #tpu.memory_space<vmem>>, vector<1x256xf32>
    %add3A = arith.addf %get3A_16, %get3A_19 : vector<1x256xf32>
    %dot_general3A = arith.constant dense<0.000000e+00> : vector<128x256xf32>
    %dot_general3A_20 = tpu.matmul %get3A_1, %get3A_10, %dot_general3A {dimension_numbers = #tpu.dot_dimension_numbers<[1], [0], [0], [1], [0, 0, 1, 1], [], []>, transpose_lhs_hint = false} : vector<128x256xf32>, vector<256x256xf32>, vector<128x256xf32> -> vector<128x256xf32>
    %dot_general3A_21 = arith.constant dense<0.000000e+00> : vector<128x256xf32>
    %dot_general3A_22 = tpu.matmul %get3A_1, %get3A_13, %dot_general3A_21 {dimension_numbers = #tpu.dot_dimension_numbers<[1], [0], [0], [1], [0, 0, 1, 1], [], []>, transpose_lhs_hint = false} : vector<128x256xf32>, vector<256x256xf32>, vector<128x256xf32> -> vector<128x256xf32>
    %dot_general3A_23 = arith.constant dense<0.000000e+00> : vector<3x256xf32>
    %dot_general3A_24 = tpu.matmul %get3A_4, %get3A_10, %dot_general3A_23 {dimension_numbers = #tpu.dot_dimension_numbers<[1], [0], [0], [1], [0, 0, 1, 1], [], []>, transpose_lhs_hint = false} : vector<3x256xf32>, vector<256x256xf32>, vector<3x256xf32> -> vector<3x256xf32>
    %dot_general3A_25 = arith.constant dense<0.000000e+00> : vector<3x256xf32>
    %dot_general3A_26 = tpu.matmul %get3A_4, %get3A_13, %dot_general3A_25 {dimension_numbers = #tpu.dot_dimension_numbers<[1], [0], [0], [1], [0, 0, 1, 1], [], []>, transpose_lhs_hint = false} : vector<3x256xf32>, vector<256x256xf32>, vector<3x256xf32> -> vector<3x256xf32>
    %dot_general3A_27 = arith.constant dense<0.000000e+00> : vector<1x256xf32>
    %dot_general3A_28 = tpu.matmul %add3A, %get3A_10, %dot_general3A_27 {dimension_numbers = #tpu.dot_dimension_numbers<[1], [0], [0], [1], [0, 0, 1, 1], [], []>, transpose_lhs_hint = false} : vector<1x256xf32>, vector<256x256xf32>, vector<1x256xf32> -> vector<1x256xf32>
    %get3A_29 = arith.constant 0 : index
    %get3A_30 = arith.constant 0 : index
    %get3A_31 = vector.load %arg13[%get3A_29, %get3A_30] : memref<1x256xf32, #tpu.memory_space<vmem>>, vector<1x256xf32>
    %add3A_32 = arith.addf %dot_general3A_28, %get3A_31 : vector<1x256xf32>
    %dot_general3A_33 = arith.constant dense<0.000000e+00> : vector<1x256xf32>
    %dot_general3A_34 = tpu.matmul %add3A, %get3A_13, %dot_general3A_33 {dimension_numbers = #tpu.dot_dimension_numbers<[1], [0], [0], [1], [0, 0, 1, 1], [], []>, transpose_lhs_hint = false} : vector<1x256xf32>, vector<256x256xf32>, vector<1x256xf32> -> vector<1x256xf32>
    %get3A_35 = arith.constant 0 : index
    %get3A_36 = arith.constant 0 : index
    %get3A_37 = vector.load %arg14[%get3A_35, %get3A_36] : memref<1x256xf32, #tpu.memory_space<vmem>>, vector<1x256xf32>
    %add3A_38 = arith.addf %dot_general3A_34, %get3A_37 : vector<1x256xf32>
    %get3A_39 = arith.constant 0 : index
    %get3A_40 = arith.constant 0 : index
    %get3A_41 = vector.load %arg4[%get3A_39, %get3A_40] : memref<648x3xf32, #tpu.memory_space<vmem>>, vector<648x3xf32>
    %dot_general3A_42 = arith.constant dense<0.000000e+00> : vector<648x256xf32>
    %dot_general3A_43 = tpu.matmul %get3A_41, %get3A_4, %dot_general3A_42 {dimension_numbers = #tpu.dot_dimension_numbers<[1], [0], [0], [1], [0, 0, 1, 1], [], []>, transpose_lhs_hint = false} : vector<648x3xf32>, vector<3x256xf32>, vector<648x256xf32> -> vector<648x256xf32>
    %get3A_44 = arith.constant 0 : index
    %get3A_45 = arith.constant 0 : index
    %get3A_46 = vector.load %arg11[%get3A_44, %get3A_45] : memref<1x256xf32, #tpu.memory_space<vmem>>, vector<1x256xf32>
    %add3A_47 = vector.broadcast %get3A_46 : vector<1x256xf32> to vector<648x256xf32>
    %add3A_48 = arith.addf %dot_general3A_43, %add3A_47 : vector<648x256xf32>
    %dot_general3A_49 = arith.constant dense<0.000000e+00> : vector<648x256xf32>
    %dot_general3A_50 = tpu.matmul %add3A_48, %get3A_7, %dot_general3A_49 {dimension_numbers = #tpu.dot_dimension_numbers<[1], [0], [0], [1], [0, 0, 1, 1], [], []>, transpose_lhs_hint = false} : vector<648x256xf32>, vector<256x256xf32>, vector<648x256xf32> -> vector<648x256xf32>
    %get3A_51 = arith.constant 0 : index
    %get3A_52 = arith.constant 0 : index
    %get3A_53 = vector.load %arg12[%get3A_51, %get3A_52] : memref<1x256xf32, #tpu.memory_space<vmem>>, vector<1x256xf32>
    %add3A_54 = vector.broadcast %get3A_53 : vector<1x256xf32> to vector<648x256xf32>
    %add3A_55 = arith.addf %dot_general3A_50, %add3A_54 : vector<648x256xf32>
    %dot_general3A_56 = arith.constant dense<0.000000e+00> : vector<648x128xf32>
    %dot_general3A_57 = tpu.matmul %add3A_55, %dot_general3A_20, %dot_general3A_56 {dimension_numbers = #tpu.dot_dimension_numbers<[1], [1], [0], [0], [0, 0, 1, 0], [], []>, transpose_lhs_hint = false} : vector<648x256xf32>, vector<128x256xf32>, vector<648x128xf32> -> vector<648x128xf32>
    %dot_general3A_58 = arith.constant dense<0.000000e+00> : vector<648x3xf32>
    %dot_general3A_59 = tpu.matmul %add3A_55, %dot_general3A_24, %dot_general3A_58 {dimension_numbers = #tpu.dot_dimension_numbers<[1], [1], [0], [0], [0, 0, 1, 0], [], []>, transpose_lhs_hint = false} : vector<648x256xf32>, vector<3x256xf32>, vector<648x3xf32> -> vector<648x3xf32>
    %mul3A = vector.broadcast %add3A_32 : vector<1x256xf32> to vector<648x256xf32>
    %mul3A_60 = arith.mulf %add3A_55, %mul3A : vector<648x256xf32>
    %reduce_sum3A = arith.constant dense<0.000000e+00> : vector<648xf32>
    %reduce_sum3A_61 = vector.multi_reduction <add>, %mul3A_60, %reduce_sum3A [1] : vector<648x256xf32> to vector<648xf32>
    %broadcast_in_dim3A = vector.shape_cast %reduce_sum3A_61 : vector<648xf32> to vector<648x1xf32>
    %get3A_62 = arith.constant 0 : index
    %get3A_63 = arith.constant 0 : index
    %get3A_64 = arith.constant 0 : index
    %get3A_65 = arith.constant 0 : index
    %get3A_66 = vector.load %arg1[%get3A_62, %get3A_63, %get3A_64, %get3A_65] : memref<1x648x16x128xf32, #tpu.memory_space<vmem>>, vector<1x648x1x128xf32>
    %get3A_67 = vector.shape_cast %get3A_66 : vector<1x648x1x128xf32> to vector<648x128xf32>
    %get3A_68 = arith.constant 0 : index
    %get3A_69 = arith.constant 0 : index
    %get3A_70 = arith.constant 0 : index
    %get3A_71 = arith.constant 0 : index
    %get3A_72 = vector.load %arg2[%get3A_68, %get3A_69, %get3A_70, %get3A_71] : memref<1x648x16x128xf32, #tpu.memory_space<vmem>>, vector<1x648x1x3xf32>
    %get3A_73 = vector.shape_cast %get3A_72 : vector<1x648x1x3xf32> to vector<648x3xf32>
    %mul3A_74 = arith.mulf %get3A_67, %dot_general3A_57 : vector<648x128xf32>
    %reduce_sum3A_75 = arith.constant dense<0.000000e+00> : vector<648xf32>
    %reduce_sum3A_76 = vector.multi_reduction <add>, %mul3A_74, %reduce_sum3A_75 [1] : vector<648x128xf32> to vector<648xf32>
    %broadcast_in_dim3A_77 = vector.shape_cast %reduce_sum3A_76 : vector<648xf32> to vector<648x1xf32>
    %mul3A_78 = arith.mulf %get3A_73, %dot_general3A_59 : vector<648x3xf32>
    %reduce_sum3A_79 = arith.constant dense<0.000000e+00> : vector<648xf32>
    %reduce_sum3A_80 = vector.multi_reduction <add>, %mul3A_78, %reduce_sum3A_79 [1] : vector<648x3xf32> to vector<648xf32>
    %broadcast_in_dim3A_81 = vector.shape_cast %reduce_sum3A_80 : vector<648xf32> to vector<648x1xf32>
    %add3A_82 = arith.addf %broadcast_in_dim3A_77, %broadcast_in_dim3A_81 : vector<648x1xf32>
    %get3A_83 = arith.constant 0 : index
    %get3A_84 = arith.constant 0 : index
    %get3A_85 = arith.constant 1 : index
    %get3A_86 = arith.constant 0 : index
    %get3A_87 = vector.load %arg1[%get3A_83, %get3A_84, %get3A_85, %get3A_86] : memref<1x648x16x128xf32, #tpu.memory_space<vmem>>, vector<1x648x1x128xf32>
    %get3A_88 = vector.shape_cast %get3A_87 : vector<1x648x1x128xf32> to vector<648x128xf32>
    %get3A_89 = arith.constant 0 : index
    %get3A_90 = arith.constant 0 : index
    %get3A_91 = arith.constant 1 : index
    %get3A_92 = arith.constant 0 : index
    %get3A_93 = vector.load %arg2[%get3A_89, %get3A_90, %get3A_91, %get3A_92] : memref<1x648x16x128xf32, #tpu.memory_space<vmem>>, vector<1x648x1x3xf32>
    %get3A_94 = vector.shape_cast %get3A_93 : vector<1x648x1x3xf32> to vector<648x3xf32>
    %mul3A_95 = arith.mulf %get3A_88, %dot_general3A_57 : vector<648x128xf32>
    %reduce_sum3A_96 = arith.constant dense<0.000000e+00> : vector<648xf32>
    %reduce_sum3A_97 = vector.multi_reduction <add>, %mul3A_95, %reduce_sum3A_96 [1] : vector<648x128xf32> to vector<648xf32>
    %broadcast_in_dim3A_98 = vector.shape_cast %reduce_sum3A_97 : vector<648xf32> to vector<648x1xf32>
    %mul3A_99 = arith.mulf %get3A_94, %dot_general3A_59 : vector<648x3xf32>
    %reduce_sum3A_100 = arith.constant dense<0.000000e+00> : vector<648xf32>
    %reduce_sum3A_101 = vector.multi_reduction <add>, %mul3A_99, %reduce_sum3A_100 [1] : vector<648x3xf32> to vector<648xf32>
    %broadcast_in_dim3A_102 = vector.shape_cast %reduce_sum3A_101 : vector<648xf32> to vector<648x1xf32>
    %add3A_103 = arith.addf %broadcast_in_dim3A_98, %broadcast_in_dim3A_102 : vector<648x1xf32>
    %get3A_104 = arith.constant 0 : index
    %get3A_105 = arith.constant 0 : index
    %get3A_106 = arith.constant 2 : index
    %get3A_107 = arith.constant 0 : index
    %get3A_108 = vector.load %arg1[%get3A_104, %get3A_105, %get3A_106, %get3A_107] : memref<1x648x16x128xf32, #tpu.memory_space<vmem>>, vector<1x648x1x128xf32>
    %get3A_109 = vector.shape_cast %get3A_108 : vector<1x648x1x128xf32> to vector<648x128xf32>
    %get3A_110 = arith.constant 0 : index
    %get3A_111 = arith.constant 0 : index
    %get3A_112 = arith.constant 2 : index
    %get3A_113 = arith.constant 0 : index
    %get3A_114 = vector.load %arg2[%get3A_110, %get3A_111, %get3A_112, %get3A_113] : memref<1x648x16x128xf32, #tpu.memory_space<vmem>>, vector<1x648x1x3xf32>
    %get3A_115 = vector.shape_cast %get3A_114 : vector<1x648x1x3xf32> to vector<648x3xf32>
    %mul3A_116 = arith.mulf %get3A_109, %dot_general3A_57 : vector<648x128xf32>
    %reduce_sum3A_117 = arith.constant dense<0.000000e+00> : vector<648xf32>
    %reduce_sum3A_118 = vector.multi_reduction <add>, %mul3A_116, %reduce_sum3A_117 [1] : vector<648x128xf32> to vector<648xf32>
    %broadcast_in_dim3A_119 = vector.shape_cast %reduce_sum3A_118 : vector<648xf32> to vector<648x1xf32>
    %mul3A_120 = arith.mulf %get3A_115, %dot_general3A_59 : vector<648x3xf32>
    %reduce_sum3A_121 = arith.constant dense<0.000000e+00> : vector<648xf32>
    %reduce_sum3A_122 = vector.multi_reduction <add>, %mul3A_120, %reduce_sum3A_121 [1] : vector<648x3xf32> to vector<648xf32>
    %broadcast_in_dim3A_123 = vector.shape_cast %reduce_sum3A_122 : vector<648xf32> to vector<648x1xf32>
    %add3A_124 = arith.addf %broadcast_in_dim3A_119, %broadcast_in_dim3A_123 : vector<648x1xf32>
    %get3A_125 = arith.constant 0 : index
    %get3A_126 = arith.constant 0 : index
    %get3A_127 = arith.constant 3 : index
    %get3A_128 = arith.constant 0 : index
    %get3A_129 = vector.load %arg1[%get3A_125, %get3A_126, %get3A_127, %get3A_128] : memref<1x648x16x128xf32, #tpu.memory_space<vmem>>, vector<1x648x1x128xf32>
    %get3A_130 = vector.shape_cast %get3A_129 : vector<1x648x1x128xf32> to vector<648x128xf32>
    %get3A_131 = arith.constant 0 : index
    %get3A_132 = arith.constant 0 : index
    %get3A_133 = arith.constant 3 : index
    %get3A_134 = arith.constant 0 : index
    %get3A_135 = vector.load %arg2[%get3A_131, %get3A_132, %get3A_133, %get3A_134] : memref<1x648x16x128xf32, #tpu.memory_space<vmem>>, vector<1x648x1x3xf32>
    %get3A_136 = vector.shape_cast %get3A_135 : vector<1x648x1x3xf32> to vector<648x3xf32>
    %mul3A_137 = arith.mulf %get3A_130, %dot_general3A_57 : vector<648x128xf32>
    %reduce_sum3A_138 = arith.constant dense<0.000000e+00> : vector<648xf32>
    %reduce_sum3A_139 = vector.multi_reduction <add>, %mul3A_137, %reduce_sum3A_138 [1] : vector<648x128xf32> to vector<648xf32>
    %broadcast_in_dim3A_140 = vector.shape_cast %reduce_sum3A_139 : vector<648xf32> to vector<648x1xf32>
    %mul3A_141 = arith.mulf %get3A_136, %dot_general3A_59 : vector<648x3xf32>
    %reduce_sum3A_142 = arith.constant dense<0.000000e+00> : vector<648xf32>
    %reduce_sum3A_143 = vector.multi_reduction <add>, %mul3A_141, %reduce_sum3A_142 [1] : vector<648x3xf32> to vector<648xf32>
    %broadcast_in_dim3A_144 = vector.shape_cast %reduce_sum3A_143 : vector<648xf32> to vector<648x1xf32>
    %add3A_145 = arith.addf %broadcast_in_dim3A_140, %broadcast_in_dim3A_144 : vector<648x1xf32>
    %get3A_146 = arith.constant 0 : index
    %get3A_147 = arith.constant 0 : index
    %get3A_148 = arith.constant 4 : index
    %get3A_149 = arith.constant 0 : index
    %get3A_150 = vector.load %arg1[%get3A_146, %get3A_147, %get3A_148, %get3A_149] : memref<1x648x16x128xf32, #tpu.memory_space<vmem>>, vector<1x648x1x128xf32>
    %get3A_151 = vector.shape_cast %get3A_150 : vector<1x648x1x128xf32> to vector<648x128xf32>
    %get3A_152 = arith.constant 0 : index
    %get3A_153 = arith.constant 0 : index
    %get3A_154 = arith.constant 4 : index
    %get3A_155 = arith.constant 0 : index
    %get3A_156 = vector.load %arg2[%get3A_152, %get3A_153, %get3A_154, %get3A_155] : memref<1x648x16x128xf32, #tpu.memory_space<vmem>>, vector<1x648x1x3xf32>
    %get3A_157 = vector.shape_cast %get3A_156 : vector<1x648x1x3xf32> to vector<648x3xf32>
    %mul3A_158 = arith.mulf %get3A_151, %dot_general3A_57 : vector<648x128xf32>
    %reduce_sum3A_159 = arith.constant dense<0.000000e+00> : vector<648xf32>
    %reduce_sum3A_160 = vector.multi_reduction <add>, %mul3A_158, %reduce_sum3A_159 [1] : vector<648x128xf32> to vector<648xf32>
    %broadcast_in_dim3A_161 = vector.shape_cast %reduce_sum3A_160 : vector<648xf32> to vector<648x1xf32>
    %mul3A_162 = arith.mulf %get3A_157, %dot_general3A_59 : vector<648x3xf32>
    %reduce_sum3A_163 = arith.constant dense<0.000000e+00> : vector<648xf32>
    %reduce_sum3A_164 = vector.multi_reduction <add>, %mul3A_162, %reduce_sum3A_163 [1] : vector<648x3xf32> to vector<648xf32>
    %broadcast_in_dim3A_165 = vector.shape_cast %reduce_sum3A_164 : vector<648xf32> to vector<648x1xf32>
    %add3A_166 = arith.addf %broadcast_in_dim3A_161, %broadcast_in_dim3A_165 : vector<648x1xf32>
    %get3A_167 = arith.constant 0 : index
    %get3A_168 = arith.constant 0 : index
    %get3A_169 = arith.constant 5 : index
    %get3A_170 = arith.constant 0 : index
    %get3A_171 = vector.load %arg1[%get3A_167, %get3A_168, %get3A_169, %get3A_170] : memref<1x648x16x128xf32, #tpu.memory_space<vmem>>, vector<1x648x1x128xf32>
    %get3A_172 = vector.shape_cast %get3A_171 : vector<1x648x1x128xf32> to vector<648x128xf32>
    %get3A_173 = arith.constant 0 : index
    %get3A_174 = arith.constant 0 : index
    %get3A_175 = arith.constant 5 : index
    %get3A_176 = arith.constant 0 : index
    %get3A_177 = vector.load %arg2[%get3A_173, %get3A_174, %get3A_175, %get3A_176] : memref<1x648x16x128xf32, #tpu.memory_space<vmem>>, vector<1x648x1x3xf32>
    %get3A_178 = vector.shape_cast %get3A_177 : vector<1x648x1x3xf32> to vector<648x3xf32>
    %mul3A_179 = arith.mulf %get3A_172, %dot_general3A_57 : vector<648x128xf32>
    %reduce_sum3A_180 = arith.constant dense<0.000000e+00> : vector<648xf32>
    %reduce_sum3A_181 = vector.multi_reduction <add>, %mul3A_179, %reduce_sum3A_180 [1] : vector<648x128xf32> to vector<648xf32>
    %broadcast_in_dim3A_182 = vector.shape_cast %reduce_sum3A_181 : vector<648xf32> to vector<648x1xf32>
    %mul3A_183 = arith.mulf %get3A_178, %dot_general3A_59 : vector<648x3xf32>
    %reduce_sum3A_184 = arith.constant dense<0.000000e+00> : vector<648xf32>
    %reduce_sum3A_185 = vector.multi_reduction <add>, %mul3A_183, %reduce_sum3A_184 [1] : vector<648x3xf32> to vector<648xf32>
    %broadcast_in_dim3A_186 = vector.shape_cast %reduce_sum3A_185 : vector<648xf32> to vector<648x1xf32>
    %add3A_187 = arith.addf %broadcast_in_dim3A_182, %broadcast_in_dim3A_186 : vector<648x1xf32>
    %get3A_188 = arith.constant 0 : index
    %get3A_189 = arith.constant 0 : index
    %get3A_190 = arith.constant 6 : index
    %get3A_191 = arith.constant 0 : index
    %get3A_192 = vector.load %arg1[%get3A_188, %get3A_189, %get3A_190, %get3A_191] : memref<1x648x16x128xf32, #tpu.memory_space<vmem>>, vector<1x648x1x128xf32>
    %get3A_193 = vector.shape_cast %get3A_192 : vector<1x648x1x128xf32> to vector<648x128xf32>
    %get3A_194 = arith.constant 0 : index
    %get3A_195 = arith.constant 0 : index
    %get3A_196 = arith.constant 6 : index
    %get3A_197 = arith.constant 0 : index
    %get3A_198 = vector.load %arg2[%get3A_194, %get3A_195, %get3A_196, %get3A_197] : memref<1x648x16x128xf32, #tpu.memory_space<vmem>>, vector<1x648x1x3xf32>
    %get3A_199 = vector.shape_cast %get3A_198 : vector<1x648x1x3xf32> to vector<648x3xf32>
    %mul3A_200 = arith.mulf %get3A_193, %dot_general3A_57 : vector<648x128xf32>
    %reduce_sum3A_201 = arith.constant dense<0.000000e+00> : vector<648xf32>
    %reduce_sum3A_202 = vector.multi_reduction <add>, %mul3A_200, %reduce_sum3A_201 [1] : vector<648x128xf32> to vector<648xf32>
    %broadcast_in_dim3A_203 = vector.shape_cast %reduce_sum3A_202 : vector<648xf32> to vector<648x1xf32>
    %mul3A_204 = arith.mulf %get3A_199, %dot_general3A_59 : vector<648x3xf32>
    %reduce_sum3A_205 = arith.constant dense<0.000000e+00> : vector<648xf32>
    %reduce_sum3A_206 = vector.multi_reduction <add>, %mul3A_204, %reduce_sum3A_205 [1] : vector<648x3xf32> to vector<648xf32>
    %broadcast_in_dim3A_207 = vector.shape_cast %reduce_sum3A_206 : vector<648xf32> to vector<648x1xf32>
    %add3A_208 = arith.addf %broadcast_in_dim3A_203, %broadcast_in_dim3A_207 : vector<648x1xf32>
    %get3A_209 = arith.constant 0 : index
    %get3A_210 = arith.constant 0 : index
    %get3A_211 = arith.constant 7 : index
    %get3A_212 = arith.constant 0 : index
    %get3A_213 = vector.load %arg1[%get3A_209, %get3A_210, %get3A_211, %get3A_212] : memref<1x648x16x128xf32, #tpu.memory_space<vmem>>, vector<1x648x1x128xf32>
    %get3A_214 = vector.shape_cast %get3A_213 : vector<1x648x1x128xf32> to vector<648x128xf32>
    %get3A_215 = arith.constant 0 : index
    %get3A_216 = arith.constant 0 : index
    %get3A_217 = arith.constant 7 : index
    %get3A_218 = arith.constant 0 : index
    %get3A_219 = vector.load %arg2[%get3A_215, %get3A_216, %get3A_217, %get3A_218] : memref<1x648x16x128xf32, #tpu.memory_space<vmem>>, vector<1x648x1x3xf32>
    %get3A_220 = vector.shape_cast %get3A_219 : vector<1x648x1x3xf32> to vector<648x3xf32>
    %mul3A_221 = arith.mulf %get3A_214, %dot_general3A_57 : vector<648x128xf32>
    %reduce_sum3A_222 = arith.constant dense<0.000000e+00> : vector<648xf32>
    %reduce_sum3A_223 = vector.multi_reduction <add>, %mul3A_221, %reduce_sum3A_222 [1] : vector<648x128xf32> to vector<648xf32>
    %broadcast_in_dim3A_224 = vector.shape_cast %reduce_sum3A_223 : vector<648xf32> to vector<648x1xf32>
    %mul3A_225 = arith.mulf %get3A_220, %dot_general3A_59 : vector<648x3xf32>
    %reduce_sum3A_226 = arith.constant dense<0.000000e+00> : vector<648xf32>
    %reduce_sum3A_227 = vector.multi_reduction <add>, %mul3A_225, %reduce_sum3A_226 [1] : vector<648x3xf32> to vector<648xf32>
    %broadcast_in_dim3A_228 = vector.shape_cast %reduce_sum3A_227 : vector<648xf32> to vector<648x1xf32>
    %add3A_229 = arith.addf %broadcast_in_dim3A_224, %broadcast_in_dim3A_228 : vector<648x1xf32>
    %get3A_230 = arith.constant 0 : index
    %get3A_231 = arith.constant 0 : index
    %get3A_232 = arith.constant 8 : index
    %get3A_233 = arith.constant 0 : index
    %get3A_234 = vector.load %arg1[%get3A_230, %get3A_231, %get3A_232, %get3A_233] : memref<1x648x16x128xf32, #tpu.memory_space<vmem>>, vector<1x648x1x128xf32>
    %get3A_235 = vector.shape_cast %get3A_234 : vector<1x648x1x128xf32> to vector<648x128xf32>
    %get3A_236 = arith.constant 0 : index
    %get3A_237 = arith.constant 0 : index
    %get3A_238 = arith.constant 8 : index
    %get3A_239 = arith.constant 0 : index
    %get3A_240 = vector.load %arg2[%get3A_236, %get3A_237, %get3A_238, %get3A_239] : memref<1x648x16x128xf32, #tpu.memory_space<vmem>>, vector<1x648x1x3xf32>
    %get3A_241 = vector.shape_cast %get3A_240 : vector<1x648x1x3xf32> to vector<648x3xf32>
    %mul3A_242 = arith.mulf %get3A_235, %dot_general3A_57 : vector<648x128xf32>
    %reduce_sum3A_243 = arith.constant dense<0.000000e+00> : vector<648xf32>
    %reduce_sum3A_244 = vector.multi_reduction <add>, %mul3A_242, %reduce_sum3A_243 [1] : vector<648x128xf32> to vector<648xf32>
    %broadcast_in_dim3A_245 = vector.shape_cast %reduce_sum3A_244 : vector<648xf32> to vector<648x1xf32>
    %mul3A_246 = arith.mulf %get3A_241, %dot_general3A_59 : vector<648x3xf32>
    %reduce_sum3A_247 = arith.constant dense<0.000000e+00> : vector<648xf32>
    %reduce_sum3A_248 = vector.multi_reduction <add>, %mul3A_246, %reduce_sum3A_247 [1] : vector<648x3xf32> to vector<648xf32>
    %broadcast_in_dim3A_249 = vector.shape_cast %reduce_sum3A_248 : vector<648xf32> to vector<648x1xf32>
    %add3A_250 = arith.addf %broadcast_in_dim3A_245, %broadcast_in_dim3A_249 : vector<648x1xf32>
    %get3A_251 = arith.constant 0 : index
    %get3A_252 = arith.constant 0 : index
    %get3A_253 = arith.constant 9 : index
    %get3A_254 = arith.constant 0 : index
    %get3A_255 = vector.load %arg1[%get3A_251, %get3A_252, %get3A_253, %get3A_254] : memref<1x648x16x128xf32, #tpu.memory_space<vmem>>, vector<1x648x1x128xf32>
    %get3A_256 = vector.shape_cast %get3A_255 : vector<1x648x1x128xf32> to vector<648x128xf32>
    %get3A_257 = arith.constant 0 : index
    %get3A_258 = arith.constant 0 : index
    %get3A_259 = arith.constant 9 : index
    %get3A_260 = arith.constant 0 : index
    %get3A_261 = vector.load %arg2[%get3A_257, %get3A_258, %get3A_259, %get3A_260] : memref<1x648x16x128xf32, #tpu.memory_space<vmem>>, vector<1x648x1x3xf32>
    %get3A_262 = vector.shape_cast %get3A_261 : vector<1x648x1x3xf32> to vector<648x3xf32>
    %mul3A_263 = arith.mulf %get3A_256, %dot_general3A_57 : vector<648x128xf32>
    %reduce_sum3A_264 = arith.constant dense<0.000000e+00> : vector<648xf32>
    %reduce_sum3A_265 = vector.multi_reduction <add>, %mul3A_263, %reduce_sum3A_264 [1] : vector<648x128xf32> to vector<648xf32>
    %broadcast_in_dim3A_266 = vector.shape_cast %reduce_sum3A_265 : vector<648xf32> to vector<648x1xf32>
    %mul3A_267 = arith.mulf %get3A_262, %dot_general3A_59 : vector<648x3xf32>
    %reduce_sum3A_268 = arith.constant dense<0.000000e+00> : vector<648xf32>
    %reduce_sum3A_269 = vector.multi_reduction <add>, %mul3A_267, %reduce_sum3A_268 [1] : vector<648x3xf32> to vector<648xf32>
    %broadcast_in_dim3A_270 = vector.shape_cast %reduce_sum3A_269 : vector<648xf32> to vector<648x1xf32>
    %add3A_271 = arith.addf %broadcast_in_dim3A_266, %broadcast_in_dim3A_270 : vector<648x1xf32>
    %get3A_272 = arith.constant 0 : index
    %get3A_273 = arith.constant 0 : index
    %get3A_274 = arith.constant 10 : index
    %get3A_275 = arith.constant 0 : index
    %get3A_276 = vector.load %arg1[%get3A_272, %get3A_273, %get3A_274, %get3A_275] : memref<1x648x16x128xf32, #tpu.memory_space<vmem>>, vector<1x648x1x128xf32>
    %get3A_277 = vector.shape_cast %get3A_276 : vector<1x648x1x128xf32> to vector<648x128xf32>
    %get3A_278 = arith.constant 0 : index
    %get3A_279 = arith.constant 0 : index
    %get3A_280 = arith.constant 10 : index
    %get3A_281 = arith.constant 0 : index
    %get3A_282 = vector.load %arg2[%get3A_278, %get3A_279, %get3A_280, %get3A_281] : memref<1x648x16x128xf32, #tpu.memory_space<vmem>>, vector<1x648x1x3xf32>
    %get3A_283 = vector.shape_cast %get3A_282 : vector<1x648x1x3xf32> to vector<648x3xf32>
    %mul3A_284 = arith.mulf %get3A_277, %dot_general3A_57 : vector<648x128xf32>
    %reduce_sum3A_285 = arith.constant dense<0.000000e+00> : vector<648xf32>
    %reduce_sum3A_286 = vector.multi_reduction <add>, %mul3A_284, %reduce_sum3A_285 [1] : vector<648x128xf32> to vector<648xf32>
    %broadcast_in_dim3A_287 = vector.shape_cast %reduce_sum3A_286 : vector<648xf32> to vector<648x1xf32>
    %mul3A_288 = arith.mulf %get3A_283, %dot_general3A_59 : vector<648x3xf32>
    %reduce_sum3A_289 = arith.constant dense<0.000000e+00> : vector<648xf32>
    %reduce_sum3A_290 = vector.multi_reduction <add>, %mul3A_288, %reduce_sum3A_289 [1] : vector<648x3xf32> to vector<648xf32>
    %broadcast_in_dim3A_291 = vector.shape_cast %reduce_sum3A_290 : vector<648xf32> to vector<648x1xf32>
    %add3A_292 = arith.addf %broadcast_in_dim3A_287, %broadcast_in_dim3A_291 : vector<648x1xf32>
    %get3A_293 = arith.constant 0 : index
    %get3A_294 = arith.constant 0 : index
    %get3A_295 = arith.constant 11 : index
    %get3A_296 = arith.constant 0 : index
    %get3A_297 = vector.load %arg1[%get3A_293, %get3A_294, %get3A_295, %get3A_296] : memref<1x648x16x128xf32, #tpu.memory_space<vmem>>, vector<1x648x1x128xf32>
    %get3A_298 = vector.shape_cast %get3A_297 : vector<1x648x1x128xf32> to vector<648x128xf32>
    %get3A_299 = arith.constant 0 : index
    %get3A_300 = arith.constant 0 : index
    %get3A_301 = arith.constant 11 : index
    %get3A_302 = arith.constant 0 : index
    %get3A_303 = vector.load %arg2[%get3A_299, %get3A_300, %get3A_301, %get3A_302] : memref<1x648x16x128xf32, #tpu.memory_space<vmem>>, vector<1x648x1x3xf32>
    %get3A_304 = vector.shape_cast %get3A_303 : vector<1x648x1x3xf32> to vector<648x3xf32>
    %mul3A_305 = arith.mulf %get3A_298, %dot_general3A_57 : vector<648x128xf32>
    %reduce_sum3A_306 = arith.constant dense<0.000000e+00> : vector<648xf32>
    %reduce_sum3A_307 = vector.multi_reduction <add>, %mul3A_305, %reduce_sum3A_306 [1] : vector<648x128xf32> to vector<648xf32>
    %broadcast_in_dim3A_308 = vector.shape_cast %reduce_sum3A_307 : vector<648xf32> to vector<648x1xf32>
    %mul3A_309 = arith.mulf %get3A_304, %dot_general3A_59 : vector<648x3xf32>
    %reduce_sum3A_310 = arith.constant dense<0.000000e+00> : vector<648xf32>
    %reduce_sum3A_311 = vector.multi_reduction <add>, %mul3A_309, %reduce_sum3A_310 [1] : vector<648x3xf32> to vector<648xf32>
    %broadcast_in_dim3A_312 = vector.shape_cast %reduce_sum3A_311 : vector<648xf32> to vector<648x1xf32>
    %add3A_313 = arith.addf %broadcast_in_dim3A_308, %broadcast_in_dim3A_312 : vector<648x1xf32>
    %get3A_314 = arith.constant 0 : index
    %get3A_315 = arith.constant 0 : index
    %get3A_316 = arith.constant 12 : index
    %get3A_317 = arith.constant 0 : index
    %get3A_318 = vector.load %arg1[%get3A_314, %get3A_315, %get3A_316, %get3A_317] : memref<1x648x16x128xf32, #tpu.memory_space<vmem>>, vector<1x648x1x128xf32>
    %get3A_319 = vector.shape_cast %get3A_318 : vector<1x648x1x128xf32> to vector<648x128xf32>
    %get3A_320 = arith.constant 0 : index
    %get3A_321 = arith.constant 0 : index
    %get3A_322 = arith.constant 12 : index
    %get3A_323 = arith.constant 0 : index
    %get3A_324 = vector.load %arg2[%get3A_320, %get3A_321, %get3A_322, %get3A_323] : memref<1x648x16x128xf32, #tpu.memory_space<vmem>>, vector<1x648x1x3xf32>
    %get3A_325 = vector.shape_cast %get3A_324 : vector<1x648x1x3xf32> to vector<648x3xf32>
    %mul3A_326 = arith.mulf %get3A_319, %dot_general3A_57 : vector<648x128xf32>
    %reduce_sum3A_327 = arith.constant dense<0.000000e+00> : vector<648xf32>
    %reduce_sum3A_328 = vector.multi_reduction <add>, %mul3A_326, %reduce_sum3A_327 [1] : vector<648x128xf32> to vector<648xf32>
    %broadcast_in_dim3A_329 = vector.shape_cast %reduce_sum3A_328 : vector<648xf32> to vector<648x1xf32>
    %mul3A_330 = arith.mulf %get3A_325, %dot_general3A_59 : vector<648x3xf32>
    %reduce_sum3A_331 = arith.constant dense<0.000000e+00> : vector<648xf32>
    %reduce_sum3A_332 = vector.multi_reduction <add>, %mul3A_330, %reduce_sum3A_331 [1] : vector<648x3xf32> to vector<648xf32>
    %broadcast_in_dim3A_333 = vector.shape_cast %reduce_sum3A_332 : vector<648xf32> to vector<648x1xf32>
    %add3A_334 = arith.addf %broadcast_in_dim3A_329, %broadcast_in_dim3A_333 : vector<648x1xf32>
    %get3A_335 = arith.constant 0 : index
    %get3A_336 = arith.constant 0 : index
    %get3A_337 = arith.constant 13 : index
    %get3A_338 = arith.constant 0 : index
    %get3A_339 = vector.load %arg1[%get3A_335, %get3A_336, %get3A_337, %get3A_338] : memref<1x648x16x128xf32, #tpu.memory_space<vmem>>, vector<1x648x1x128xf32>
    %get3A_340 = vector.shape_cast %get3A_339 : vector<1x648x1x128xf32> to vector<648x128xf32>
    %get3A_341 = arith.constant 0 : index
    %get3A_342 = arith.constant 0 : index
    %get3A_343 = arith.constant 13 : index
    %get3A_344 = arith.constant 0 : index
    %get3A_345 = vector.load %arg2[%get3A_341, %get3A_342, %get3A_343, %get3A_344] : memref<1x648x16x128xf32, #tpu.memory_space<vmem>>, vector<1x648x1x3xf32>
    %get3A_346 = vector.shape_cast %get3A_345 : vector<1x648x1x3xf32> to vector<648x3xf32>
    %mul3A_347 = arith.mulf %get3A_340, %dot_general3A_57 : vector<648x128xf32>
    %reduce_sum3A_348 = arith.constant dense<0.000000e+00> : vector<648xf32>
    %reduce_sum3A_349 = vector.multi_reduction <add>, %mul3A_347, %reduce_sum3A_348 [1] : vector<648x128xf32> to vector<648xf32>
    %broadcast_in_dim3A_350 = vector.shape_cast %reduce_sum3A_349 : vector<648xf32> to vector<648x1xf32>
    %mul3A_351 = arith.mulf %get3A_346, %dot_general3A_59 : vector<648x3xf32>
    %reduce_sum3A_352 = arith.constant dense<0.000000e+00> : vector<648xf32>
    %reduce_sum3A_353 = vector.multi_reduction <add>, %mul3A_351, %reduce_sum3A_352 [1] : vector<648x3xf32> to vector<648xf32>
    %broadcast_in_dim3A_354 = vector.shape_cast %reduce_sum3A_353 : vector<648xf32> to vector<648x1xf32>
    %add3A_355 = arith.addf %broadcast_in_dim3A_350, %broadcast_in_dim3A_354 : vector<648x1xf32>
    %get3A_356 = arith.constant 0 : index
    %get3A_357 = arith.constant 0 : index
    %get3A_358 = arith.constant 14 : index
    %get3A_359 = arith.constant 0 : index
    %get3A_360 = vector.load %arg1[%get3A_356, %get3A_357, %get3A_358, %get3A_359] : memref<1x648x16x128xf32, #tpu.memory_space<vmem>>, vector<1x648x1x128xf32>
    %get3A_361 = vector.shape_cast %get3A_360 : vector<1x648x1x128xf32> to vector<648x128xf32>
    %get3A_362 = arith.constant 0 : index
    %get3A_363 = arith.constant 0 : index
    %get3A_364 = arith.constant 14 : index
    %get3A_365 = arith.constant 0 : index
    %get3A_366 = vector.load %arg2[%get3A_362, %get3A_363, %get3A_364, %get3A_365] : memref<1x648x16x128xf32, #tpu.memory_space<vmem>>, vector<1x648x1x3xf32>
    %get3A_367 = vector.shape_cast %get3A_366 : vector<1x648x1x3xf32> to vector<648x3xf32>
    %mul3A_368 = arith.mulf %get3A_361, %dot_general3A_57 : vector<648x128xf32>
    %reduce_sum3A_369 = arith.constant dense<0.000000e+00> : vector<648xf32>
    %reduce_sum3A_370 = vector.multi_reduction <add>, %mul3A_368, %reduce_sum3A_369 [1] : vector<648x128xf32> to vector<648xf32>
    %broadcast_in_dim3A_371 = vector.shape_cast %reduce_sum3A_370 : vector<648xf32> to vector<648x1xf32>
    %mul3A_372 = arith.mulf %get3A_367, %dot_general3A_59 : vector<648x3xf32>
    %reduce_sum3A_373 = arith.constant dense<0.000000e+00> : vector<648xf32>
    %reduce_sum3A_374 = vector.multi_reduction <add>, %mul3A_372, %reduce_sum3A_373 [1] : vector<648x3xf32> to vector<648xf32>
    %broadcast_in_dim3A_375 = vector.shape_cast %reduce_sum3A_374 : vector<648xf32> to vector<648x1xf32>
    %add3A_376 = arith.addf %broadcast_in_dim3A_371, %broadcast_in_dim3A_375 : vector<648x1xf32>
    %get3A_377 = arith.constant 0 : index
    %get3A_378 = arith.constant 0 : index
    %get3A_379 = arith.constant 15 : index
    %get3A_380 = arith.constant 0 : index
    %get3A_381 = vector.load %arg1[%get3A_377, %get3A_378, %get3A_379, %get3A_380] : memref<1x648x16x128xf32, #tpu.memory_space<vmem>>, vector<1x648x1x128xf32>
    %get3A_382 = vector.shape_cast %get3A_381 : vector<1x648x1x128xf32> to vector<648x128xf32>
    %get3A_383 = arith.constant 0 : index
    %get3A_384 = arith.constant 0 : index
    %get3A_385 = arith.constant 15 : index
    %get3A_386 = arith.constant 0 : index
    %get3A_387 = vector.load %arg2[%get3A_383, %get3A_384, %get3A_385, %get3A_386] : memref<1x648x16x128xf32, #tpu.memory_space<vmem>>, vector<1x648x1x3xf32>
    %get3A_388 = vector.shape_cast %get3A_387 : vector<1x648x1x3xf32> to vector<648x3xf32>
    %mul3A_389 = arith.mulf %get3A_382, %dot_general3A_57 : vector<648x128xf32>
    %reduce_sum3A_390 = arith.constant dense<0.000000e+00> : vector<648xf32>
    %reduce_sum3A_391 = vector.multi_reduction <add>, %mul3A_389, %reduce_sum3A_390 [1] : vector<648x128xf32> to vector<648xf32>
    %broadcast_in_dim3A_392 = vector.shape_cast %reduce_sum3A_391 : vector<648xf32> to vector<648x1xf32>
    %mul3A_393 = arith.mulf %get3A_388, %dot_general3A_59 : vector<648x3xf32>
    %reduce_sum3A_394 = arith.constant dense<0.000000e+00> : vector<648xf32>
    %reduce_sum3A_395 = vector.multi_reduction <add>, %mul3A_393, %reduce_sum3A_394 [1] : vector<648x3xf32> to vector<648xf32>
    %broadcast_in_dim3A_396 = vector.shape_cast %reduce_sum3A_395 : vector<648xf32> to vector<648x1xf32>
    %add3A_397 = arith.addf %broadcast_in_dim3A_392, %broadcast_in_dim3A_396 : vector<648x1xf32>
    %concatenate3A = tpu.concatenate %add3A_82, %add3A_103, %add3A_124, %add3A_145, %add3A_166, %add3A_187, %add3A_208, %add3A_229, %add3A_250, %add3A_271, %add3A_292, %add3A_313, %add3A_334, %add3A_355, %add3A_376, %add3A_397 in 1 : vector<648x1xf32>, vector<648x1xf32>, vector<648x1xf32>, vector<648x1xf32>, vector<648x1xf32>, vector<648x1xf32>, vector<648x1xf32>, vector<648x1xf32>, vector<648x1xf32>, vector<648x1xf32>, vector<648x1xf32>, vector<648x1xf32>, vector<648x1xf32>, vector<648x1xf32>, vector<648x1xf32>, vector<648x1xf32> -> vector<648x16xf32>
    %add3A_398 = vector.broadcast %broadcast_in_dim3A : vector<648x1xf32> to vector<648x16xf32>
    %add3A_399 = arith.addf %concatenate3A, %add3A_398 : vector<648x16xf32>
    %mul3A_400 = arith.constant 6.250000e-02 : f32
    %mul3A_401 = vector.broadcast %mul3A_400 : f32 to vector<648x16xf32>
    %mul3A_402 = arith.mulf %add3A_399, %mul3A_401 : vector<648x16xf32>
    %get3A_403 = arith.constant 0 : index
    %get3A_404 = arith.constant 0 : index
    %get3A_405 = vector.load %arg3[%get3A_403, %get3A_404] : memref<648x16xf32, #tpu.memory_space<vmem>>, vector<648x16xf32>
    %sub3A = arith.subf %mul3A_402, %get3A_405 : vector<648x16xf32>
    %reduce_max3A = arith.constant dense<0xFF800000> : vector<648xf32>
    %reduce_max3A_406 = vector.multi_reduction <maximumf>, %sub3A, %reduce_max3A [1] : vector<648x16xf32> to vector<648xf32>
    %broadcast_in_dim3A_407 = vector.shape_cast %reduce_max3A_406 : vector<648xf32> to vector<648x1xf32>
    %sub3A_408 = vector.broadcast %broadcast_in_dim3A_407 : vector<648x1xf32> to vector<648x16xf32>
    %sub3A_409 = arith.subf %sub3A, %sub3A_408 : vector<648x16xf32>
    %exp3A = math.exp %sub3A_409 : vector<648x16xf32>
    %reduce_sum3A_410 = arith.constant dense<0.000000e+00> : vector<648xf32>
    %reduce_sum3A_411 = vector.multi_reduction <add>, %exp3A, %reduce_sum3A_410 [1] : vector<648x16xf32> to vector<648xf32>
    %broadcast_in_dim3A_412 = vector.shape_cast %reduce_sum3A_411 : vector<648xf32> to vector<648x1xf32>
    %div3A = vector.broadcast %broadcast_in_dim3A_412 : vector<648x1xf32> to vector<648x16xf32>
    %div3A_413 = arith.divf %exp3A, %div3A : vector<648x16xf32>
    %broadcast_in_dim3A_414 = arith.constant 0.000000e+00 : f32
    %broadcast_in_dim3A_415 = vector.broadcast %broadcast_in_dim3A_414 : f32 to vector<648x128xf32>
    %broadcast_in_dim3A_416 = arith.constant 0.000000e+00 : f32
    %broadcast_in_dim3A_417 = vector.broadcast %broadcast_in_dim3A_416 : f32 to vector<648x3xf32>
    %slice3A = vector.extract_strided_slice %div3A_413 {offsets = [0, 0], sizes = [648, 1], strides = [1, 1]} : vector<648x16xf32> to vector<648x1xf32>
    %get3A_418 = arith.constant 0 : index
    %get3A_419 = arith.constant 0 : index
    %get3A_420 = arith.constant 0 : index
    %get3A_421 = arith.constant 0 : index
    %get3A_422 = vector.load %arg1[%get3A_418, %get3A_419, %get3A_420, %get3A_421] : memref<1x648x16x128xf32, #tpu.memory_space<vmem>>, vector<1x648x1x128xf32>
    %get3A_423 = vector.shape_cast %get3A_422 : vector<1x648x1x128xf32> to vector<648x128xf32>
    %mul3A_424 = vector.broadcast %slice3A : vector<648x1xf32> to vector<648x128xf32>
    %mul3A_425 = arith.mulf %get3A_423, %mul3A_424 : vector<648x128xf32>
    %add3A_426 = arith.addf %broadcast_in_dim3A_415, %mul3A_425 : vector<648x128xf32>
    %get3A_427 = arith.constant 0 : index
    %get3A_428 = arith.constant 0 : index
    %get3A_429 = arith.constant 0 : index
    %get3A_430 = arith.constant 0 : index
    %get3A_431 = vector.load %arg2[%get3A_427, %get3A_428, %get3A_429, %get3A_430] : memref<1x648x16x128xf32, #tpu.memory_space<vmem>>, vector<1x648x1x3xf32>
    %get3A_432 = vector.shape_cast %get3A_431 : vector<1x648x1x3xf32> to vector<648x3xf32>
    %mul3A_433 = vector.broadcast %slice3A : vector<648x1xf32> to vector<648x3xf32>
    %mul3A_434 = arith.mulf %get3A_432, %mul3A_433 : vector<648x3xf32>
    %add3A_435 = arith.addf %broadcast_in_dim3A_417, %mul3A_434 : vector<648x3xf32>
    %slice3A_436 = vector.extract_strided_slice %div3A_413 {offsets = [0, 1], sizes = [648, 1], strides = [1, 1]} : vector<648x16xf32> to vector<648x1xf32>
    %get3A_437 = arith.constant 0 : index
    %get3A_438 = arith.constant 0 : index
    %get3A_439 = arith.constant 1 : index
    %get3A_440 = arith.constant 0 : index
    %get3A_441 = vector.load %arg1[%get3A_437, %get3A_438, %get3A_439, %get3A_440] : memref<1x648x16x128xf32, #tpu.memory_space<vmem>>, vector<1x648x1x128xf32>
    %get3A_442 = vector.shape_cast %get3A_441 : vector<1x648x1x128xf32> to vector<648x128xf32>
    %mul3A_443 = vector.broadcast %slice3A_436 : vector<648x1xf32> to vector<648x128xf32>
    %mul3A_444 = arith.mulf %get3A_442, %mul3A_443 : vector<648x128xf32>
    %add3A_445 = arith.addf %add3A_426, %mul3A_444 : vector<648x128xf32>
    %get3A_446 = arith.constant 0 : index
    %get3A_447 = arith.constant 0 : index
    %get3A_448 = arith.constant 1 : index
    %get3A_449 = arith.constant 0 : index
    %get3A_450 = vector.load %arg2[%get3A_446, %get3A_447, %get3A_448, %get3A_449] : memref<1x648x16x128xf32, #tpu.memory_space<vmem>>, vector<1x648x1x3xf32>
    %get3A_451 = vector.shape_cast %get3A_450 : vector<1x648x1x3xf32> to vector<648x3xf32>
    %mul3A_452 = vector.broadcast %slice3A_436 : vector<648x1xf32> to vector<648x3xf32>
    %mul3A_453 = arith.mulf %get3A_451, %mul3A_452 : vector<648x3xf32>
    %add3A_454 = arith.addf %add3A_435, %mul3A_453 : vector<648x3xf32>
    %slice3A_455 = vector.extract_strided_slice %div3A_413 {offsets = [0, 2], sizes = [648, 1], strides = [1, 1]} : vector<648x16xf32> to vector<648x1xf32>
    %get3A_456 = arith.constant 0 : index
    %get3A_457 = arith.constant 0 : index
    %get3A_458 = arith.constant 2 : index
    %get3A_459 = arith.constant 0 : index
    %get3A_460 = vector.load %arg1[%get3A_456, %get3A_457, %get3A_458, %get3A_459] : memref<1x648x16x128xf32, #tpu.memory_space<vmem>>, vector<1x648x1x128xf32>
    %get3A_461 = vector.shape_cast %get3A_460 : vector<1x648x1x128xf32> to vector<648x128xf32>
    %mul3A_462 = vector.broadcast %slice3A_455 : vector<648x1xf32> to vector<648x128xf32>
    %mul3A_463 = arith.mulf %get3A_461, %mul3A_462 : vector<648x128xf32>
    %add3A_464 = arith.addf %add3A_445, %mul3A_463 : vector<648x128xf32>
    %get3A_465 = arith.constant 0 : index
    %get3A_466 = arith.constant 0 : index
    %get3A_467 = arith.constant 2 : index
    %get3A_468 = arith.constant 0 : index
    %get3A_469 = vector.load %arg2[%get3A_465, %get3A_466, %get3A_467, %get3A_468] : memref<1x648x16x128xf32, #tpu.memory_space<vmem>>, vector<1x648x1x3xf32>
    %get3A_470 = vector.shape_cast %get3A_469 : vector<1x648x1x3xf32> to vector<648x3xf32>
    %mul3A_471 = vector.broadcast %slice3A_455 : vector<648x1xf32> to vector<648x3xf32>
    %mul3A_472 = arith.mulf %get3A_470, %mul3A_471 : vector<648x3xf32>
    %add3A_473 = arith.addf %add3A_454, %mul3A_472 : vector<648x3xf32>
    %slice3A_474 = vector.extract_strided_slice %div3A_413 {offsets = [0, 3], sizes = [648, 1], strides = [1, 1]} : vector<648x16xf32> to vector<648x1xf32>
    %get3A_475 = arith.constant 0 : index
    %get3A_476 = arith.constant 0 : index
    %get3A_477 = arith.constant 3 : index
    %get3A_478 = arith.constant 0 : index
    %get3A_479 = vector.load %arg1[%get3A_475, %get3A_476, %get3A_477, %get3A_478] : memref<1x648x16x128xf32, #tpu.memory_space<vmem>>, vector<1x648x1x128xf32>
    %get3A_480 = vector.shape_cast %get3A_479 : vector<1x648x1x128xf32> to vector<648x128xf32>
    %mul3A_481 = vector.broadcast %slice3A_474 : vector<648x1xf32> to vector<648x128xf32>
    %mul3A_482 = arith.mulf %get3A_480, %mul3A_481 : vector<648x128xf32>
    %add3A_483 = arith.addf %add3A_464, %mul3A_482 : vector<648x128xf32>
    %get3A_484 = arith.constant 0 : index
    %get3A_485 = arith.constant 0 : index
    %get3A_486 = arith.constant 3 : index
    %get3A_487 = arith.constant 0 : index
    %get3A_488 = vector.load %arg2[%get3A_484, %get3A_485, %get3A_486, %get3A_487] : memref<1x648x16x128xf32, #tpu.memory_space<vmem>>, vector<1x648x1x3xf32>
    %get3A_489 = vector.shape_cast %get3A_488 : vector<1x648x1x3xf32> to vector<648x3xf32>
    %mul3A_490 = vector.broadcast %slice3A_474 : vector<648x1xf32> to vector<648x3xf32>
    %mul3A_491 = arith.mulf %get3A_489, %mul3A_490 : vector<648x3xf32>
    %add3A_492 = arith.addf %add3A_473, %mul3A_491 : vector<648x3xf32>
    %slice3A_493 = vector.extract_strided_slice %div3A_413 {offsets = [0, 4], sizes = [648, 1], strides = [1, 1]} : vector<648x16xf32> to vector<648x1xf32>
    %get3A_494 = arith.constant 0 : index
    %get3A_495 = arith.constant 0 : index
    %get3A_496 = arith.constant 4 : index
    %get3A_497 = arith.constant 0 : index
    %get3A_498 = vector.load %arg1[%get3A_494, %get3A_495, %get3A_496, %get3A_497] : memref<1x648x16x128xf32, #tpu.memory_space<vmem>>, vector<1x648x1x128xf32>
    %get3A_499 = vector.shape_cast %get3A_498 : vector<1x648x1x128xf32> to vector<648x128xf32>
    %mul3A_500 = vector.broadcast %slice3A_493 : vector<648x1xf32> to vector<648x128xf32>
    %mul3A_501 = arith.mulf %get3A_499, %mul3A_500 : vector<648x128xf32>
    %add3A_502 = arith.addf %add3A_483, %mul3A_501 : vector<648x128xf32>
    %get3A_503 = arith.constant 0 : index
    %get3A_504 = arith.constant 0 : index
    %get3A_505 = arith.constant 4 : index
    %get3A_506 = arith.constant 0 : index
    %get3A_507 = vector.load %arg2[%get3A_503, %get3A_504, %get3A_505, %get3A_506] : memref<1x648x16x128xf32, #tpu.memory_space<vmem>>, vector<1x648x1x3xf32>
    %get3A_508 = vector.shape_cast %get3A_507 : vector<1x648x1x3xf32> to vector<648x3xf32>
    %mul3A_509 = vector.broadcast %slice3A_493 : vector<648x1xf32> to vector<648x3xf32>
    %mul3A_510 = arith.mulf %get3A_508, %mul3A_509 : vector<648x3xf32>
    %add3A_511 = arith.addf %add3A_492, %mul3A_510 : vector<648x3xf32>
    %slice3A_512 = vector.extract_strided_slice %div3A_413 {offsets = [0, 5], sizes = [648, 1], strides = [1, 1]} : vector<648x16xf32> to vector<648x1xf32>
    %get3A_513 = arith.constant 0 : index
    %get3A_514 = arith.constant 0 : index
    %get3A_515 = arith.constant 5 : index
    %get3A_516 = arith.constant 0 : index
    %get3A_517 = vector.load %arg1[%get3A_513, %get3A_514, %get3A_515, %get3A_516] : memref<1x648x16x128xf32, #tpu.memory_space<vmem>>, vector<1x648x1x128xf32>
    %get3A_518 = vector.shape_cast %get3A_517 : vector<1x648x1x128xf32> to vector<648x128xf32>
    %mul3A_519 = vector.broadcast %slice3A_512 : vector<648x1xf32> to vector<648x128xf32>
    %mul3A_520 = arith.mulf %get3A_518, %mul3A_519 : vector<648x128xf32>
    %add3A_521 = arith.addf %add3A_502, %mul3A_520 : vector<648x128xf32>
    %get3A_522 = arith.constant 0 : index
    %get3A_523 = arith.constant 0 : index
    %get3A_524 = arith.constant 5 : index
    %get3A_525 = arith.constant 0 : index
    %get3A_526 = vector.load %arg2[%get3A_522, %get3A_523, %get3A_524, %get3A_525] : memref<1x648x16x128xf32, #tpu.memory_space<vmem>>, vector<1x648x1x3xf32>
    %get3A_527 = vector.shape_cast %get3A_526 : vector<1x648x1x3xf32> to vector<648x3xf32>
    %mul3A_528 = vector.broadcast %slice3A_512 : vector<648x1xf32> to vector<648x3xf32>
    %mul3A_529 = arith.mulf %get3A_527, %mul3A_528 : vector<648x3xf32>
    %add3A_530 = arith.addf %add3A_511, %mul3A_529 : vector<648x3xf32>
    %slice3A_531 = vector.extract_strided_slice %div3A_413 {offsets = [0, 6], sizes = [648, 1], strides = [1, 1]} : vector<648x16xf32> to vector<648x1xf32>
    %get3A_532 = arith.constant 0 : index
    %get3A_533 = arith.constant 0 : index
    %get3A_534 = arith.constant 6 : index
    %get3A_535 = arith.constant 0 : index
    %get3A_536 = vector.load %arg1[%get3A_532, %get3A_533, %get3A_534, %get3A_535] : memref<1x648x16x128xf32, #tpu.memory_space<vmem>>, vector<1x648x1x128xf32>
    %get3A_537 = vector.shape_cast %get3A_536 : vector<1x648x1x128xf32> to vector<648x128xf32>
    %mul3A_538 = vector.broadcast %slice3A_531 : vector<648x1xf32> to vector<648x128xf32>
    %mul3A_539 = arith.mulf %get3A_537, %mul3A_538 : vector<648x128xf32>
    %add3A_540 = arith.addf %add3A_521, %mul3A_539 : vector<648x128xf32>
    %get3A_541 = arith.constant 0 : index
    %get3A_542 = arith.constant 0 : index
    %get3A_543 = arith.constant 6 : index
    %get3A_544 = arith.constant 0 : index
    %get3A_545 = vector.load %arg2[%get3A_541, %get3A_542, %get3A_543, %get3A_544] : memref<1x648x16x128xf32, #tpu.memory_space<vmem>>, vector<1x648x1x3xf32>
    %get3A_546 = vector.shape_cast %get3A_545 : vector<1x648x1x3xf32> to vector<648x3xf32>
    %mul3A_547 = vector.broadcast %slice3A_531 : vector<648x1xf32> to vector<648x3xf32>
    %mul3A_548 = arith.mulf %get3A_546, %mul3A_547 : vector<648x3xf32>
    %add3A_549 = arith.addf %add3A_530, %mul3A_548 : vector<648x3xf32>
    %slice3A_550 = vector.extract_strided_slice %div3A_413 {offsets = [0, 7], sizes = [648, 1], strides = [1, 1]} : vector<648x16xf32> to vector<648x1xf32>
    %get3A_551 = arith.constant 0 : index
    %get3A_552 = arith.constant 0 : index
    %get3A_553 = arith.constant 7 : index
    %get3A_554 = arith.constant 0 : index
    %get3A_555 = vector.load %arg1[%get3A_551, %get3A_552, %get3A_553, %get3A_554] : memref<1x648x16x128xf32, #tpu.memory_space<vmem>>, vector<1x648x1x128xf32>
    %get3A_556 = vector.shape_cast %get3A_555 : vector<1x648x1x128xf32> to vector<648x128xf32>
    %mul3A_557 = vector.broadcast %slice3A_550 : vector<648x1xf32> to vector<648x128xf32>
    %mul3A_558 = arith.mulf %get3A_556, %mul3A_557 : vector<648x128xf32>
    %add3A_559 = arith.addf %add3A_540, %mul3A_558 : vector<648x128xf32>
    %get3A_560 = arith.constant 0 : index
    %get3A_561 = arith.constant 0 : index
    %get3A_562 = arith.constant 7 : index
    %get3A_563 = arith.constant 0 : index
    %get3A_564 = vector.load %arg2[%get3A_560, %get3A_561, %get3A_562, %get3A_563] : memref<1x648x16x128xf32, #tpu.memory_space<vmem>>, vector<1x648x1x3xf32>
    %get3A_565 = vector.shape_cast %get3A_564 : vector<1x648x1x3xf32> to vector<648x3xf32>
    %mul3A_566 = vector.broadcast %slice3A_550 : vector<648x1xf32> to vector<648x3xf32>
    %mul3A_567 = arith.mulf %get3A_565, %mul3A_566 : vector<648x3xf32>
    %add3A_568 = arith.addf %add3A_549, %mul3A_567 : vector<648x3xf32>
    %slice3A_569 = vector.extract_strided_slice %div3A_413 {offsets = [0, 8], sizes = [648, 1], strides = [1, 1]} : vector<648x16xf32> to vector<648x1xf32>
    %get3A_570 = arith.constant 0 : index
    %get3A_571 = arith.constant 0 : index
    %get3A_572 = arith.constant 8 : index
    %get3A_573 = arith.constant 0 : index
    %get3A_574 = vector.load %arg1[%get3A_570, %get3A_571, %get3A_572, %get3A_573] : memref<1x648x16x128xf32, #tpu.memory_space<vmem>>, vector<1x648x1x128xf32>
    %get3A_575 = vector.shape_cast %get3A_574 : vector<1x648x1x128xf32> to vector<648x128xf32>
    %mul3A_576 = vector.broadcast %slice3A_569 : vector<648x1xf32> to vector<648x128xf32>
    %mul3A_577 = arith.mulf %get3A_575, %mul3A_576 : vector<648x128xf32>
    %add3A_578 = arith.addf %add3A_559, %mul3A_577 : vector<648x128xf32>
    %get3A_579 = arith.constant 0 : index
    %get3A_580 = arith.constant 0 : index
    %get3A_581 = arith.constant 8 : index
    %get3A_582 = arith.constant 0 : index
    %get3A_583 = vector.load %arg2[%get3A_579, %get3A_580, %get3A_581, %get3A_582] : memref<1x648x16x128xf32, #tpu.memory_space<vmem>>, vector<1x648x1x3xf32>
    %get3A_584 = vector.shape_cast %get3A_583 : vector<1x648x1x3xf32> to vector<648x3xf32>
    %mul3A_585 = vector.broadcast %slice3A_569 : vector<648x1xf32> to vector<648x3xf32>
    %mul3A_586 = arith.mulf %get3A_584, %mul3A_585 : vector<648x3xf32>
    %add3A_587 = arith.addf %add3A_568, %mul3A_586 : vector<648x3xf32>
    %slice3A_588 = vector.extract_strided_slice %div3A_413 {offsets = [0, 9], sizes = [648, 1], strides = [1, 1]} : vector<648x16xf32> to vector<648x1xf32>
    %get3A_589 = arith.constant 0 : index
    %get3A_590 = arith.constant 0 : index
    %get3A_591 = arith.constant 9 : index
    %get3A_592 = arith.constant 0 : index
    %get3A_593 = vector.load %arg1[%get3A_589, %get3A_590, %get3A_591, %get3A_592] : memref<1x648x16x128xf32, #tpu.memory_space<vmem>>, vector<1x648x1x128xf32>
    %get3A_594 = vector.shape_cast %get3A_593 : vector<1x648x1x128xf32> to vector<648x128xf32>
    %mul3A_595 = vector.broadcast %slice3A_588 : vector<648x1xf32> to vector<648x128xf32>
    %mul3A_596 = arith.mulf %get3A_594, %mul3A_595 : vector<648x128xf32>
    %add3A_597 = arith.addf %add3A_578, %mul3A_596 : vector<648x128xf32>
    %get3A_598 = arith.constant 0 : index
    %get3A_599 = arith.constant 0 : index
    %get3A_600 = arith.constant 9 : index
    %get3A_601 = arith.constant 0 : index
    %get3A_602 = vector.load %arg2[%get3A_598, %get3A_599, %get3A_600, %get3A_601] : memref<1x648x16x128xf32, #tpu.memory_space<vmem>>, vector<1x648x1x3xf32>
    %get3A_603 = vector.shape_cast %get3A_602 : vector<1x648x1x3xf32> to vector<648x3xf32>
    %mul3A_604 = vector.broadcast %slice3A_588 : vector<648x1xf32> to vector<648x3xf32>
    %mul3A_605 = arith.mulf %get3A_603, %mul3A_604 : vector<648x3xf32>
    %add3A_606 = arith.addf %add3A_587, %mul3A_605 : vector<648x3xf32>
    %slice3A_607 = vector.extract_strided_slice %div3A_413 {offsets = [0, 10], sizes = [648, 1], strides = [1, 1]} : vector<648x16xf32> to vector<648x1xf32>
    %get3A_608 = arith.constant 0 : index
    %get3A_609 = arith.constant 0 : index
    %get3A_610 = arith.constant 10 : index
    %get3A_611 = arith.constant 0 : index
    %get3A_612 = vector.load %arg1[%get3A_608, %get3A_609, %get3A_610, %get3A_611] : memref<1x648x16x128xf32, #tpu.memory_space<vmem>>, vector<1x648x1x128xf32>
    %get3A_613 = vector.shape_cast %get3A_612 : vector<1x648x1x128xf32> to vector<648x128xf32>
    %mul3A_614 = vector.broadcast %slice3A_607 : vector<648x1xf32> to vector<648x128xf32>
    %mul3A_615 = arith.mulf %get3A_613, %mul3A_614 : vector<648x128xf32>
    %add3A_616 = arith.addf %add3A_597, %mul3A_615 : vector<648x128xf32>
    %get3A_617 = arith.constant 0 : index
    %get3A_618 = arith.constant 0 : index
    %get3A_619 = arith.constant 10 : index
    %get3A_620 = arith.constant 0 : index
    %get3A_621 = vector.load %arg2[%get3A_617, %get3A_618, %get3A_619, %get3A_620] : memref<1x648x16x128xf32, #tpu.memory_space<vmem>>, vector<1x648x1x3xf32>
    %get3A_622 = vector.shape_cast %get3A_621 : vector<1x648x1x3xf32> to vector<648x3xf32>
    %mul3A_623 = vector.broadcast %slice3A_607 : vector<648x1xf32> to vector<648x3xf32>
    %mul3A_624 = arith.mulf %get3A_622, %mul3A_623 : vector<648x3xf32>
    %add3A_625 = arith.addf %add3A_606, %mul3A_624 : vector<648x3xf32>
    %slice3A_626 = vector.extract_strided_slice %div3A_413 {offsets = [0, 11], sizes = [648, 1], strides = [1, 1]} : vector<648x16xf32> to vector<648x1xf32>
    %get3A_627 = arith.constant 0 : index
    %get3A_628 = arith.constant 0 : index
    %get3A_629 = arith.constant 11 : index
    %get3A_630 = arith.constant 0 : index
    %get3A_631 = vector.load %arg1[%get3A_627, %get3A_628, %get3A_629, %get3A_630] : memref<1x648x16x128xf32, #tpu.memory_space<vmem>>, vector<1x648x1x128xf32>
    %get3A_632 = vector.shape_cast %get3A_631 : vector<1x648x1x128xf32> to vector<648x128xf32>
    %mul3A_633 = vector.broadcast %slice3A_626 : vector<648x1xf32> to vector<648x128xf32>
    %mul3A_634 = arith.mulf %get3A_632, %mul3A_633 : vector<648x128xf32>
    %add3A_635 = arith.addf %add3A_616, %mul3A_634 : vector<648x128xf32>
    %get3A_636 = arith.constant 0 : index
    %get3A_637 = arith.constant 0 : index
    %get3A_638 = arith.constant 11 : index
    %get3A_639 = arith.constant 0 : index
    %get3A_640 = vector.load %arg2[%get3A_636, %get3A_637, %get3A_638, %get3A_639] : memref<1x648x16x128xf32, #tpu.memory_space<vmem>>, vector<1x648x1x3xf32>
    %get3A_641 = vector.shape_cast %get3A_640 : vector<1x648x1x3xf32> to vector<648x3xf32>
    %mul3A_642 = vector.broadcast %slice3A_626 : vector<648x1xf32> to vector<648x3xf32>
    %mul3A_643 = arith.mulf %get3A_641, %mul3A_642 : vector<648x3xf32>
    %add3A_644 = arith.addf %add3A_625, %mul3A_643 : vector<648x3xf32>
    %slice3A_645 = vector.extract_strided_slice %div3A_413 {offsets = [0, 12], sizes = [648, 1], strides = [1, 1]} : vector<648x16xf32> to vector<648x1xf32>
    %get3A_646 = arith.constant 0 : index
    %get3A_647 = arith.constant 0 : index
    %get3A_648 = arith.constant 12 : index
    %get3A_649 = arith.constant 0 : index
    %get3A_650 = vector.load %arg1[%get3A_646, %get3A_647, %get3A_648, %get3A_649] : memref<1x648x16x128xf32, #tpu.memory_space<vmem>>, vector<1x648x1x128xf32>
    %get3A_651 = vector.shape_cast %get3A_650 : vector<1x648x1x128xf32> to vector<648x128xf32>
    %mul3A_652 = vector.broadcast %slice3A_645 : vector<648x1xf32> to vector<648x128xf32>
    %mul3A_653 = arith.mulf %get3A_651, %mul3A_652 : vector<648x128xf32>
    %add3A_654 = arith.addf %add3A_635, %mul3A_653 : vector<648x128xf32>
    %get3A_655 = arith.constant 0 : index
    %get3A_656 = arith.constant 0 : index
    %get3A_657 = arith.constant 12 : index
    %get3A_658 = arith.constant 0 : index
    %get3A_659 = vector.load %arg2[%get3A_655, %get3A_656, %get3A_657, %get3A_658] : memref<1x648x16x128xf32, #tpu.memory_space<vmem>>, vector<1x648x1x3xf32>
    %get3A_660 = vector.shape_cast %get3A_659 : vector<1x648x1x3xf32> to vector<648x3xf32>
    %mul3A_661 = vector.broadcast %slice3A_645 : vector<648x1xf32> to vector<648x3xf32>
    %mul3A_662 = arith.mulf %get3A_660, %mul3A_661 : vector<648x3xf32>
    %add3A_663 = arith.addf %add3A_644, %mul3A_662 : vector<648x3xf32>
    %slice3A_664 = vector.extract_strided_slice %div3A_413 {offsets = [0, 13], sizes = [648, 1], strides = [1, 1]} : vector<648x16xf32> to vector<648x1xf32>
    %get3A_665 = arith.constant 0 : index
    %get3A_666 = arith.constant 0 : index
    %get3A_667 = arith.constant 13 : index
    %get3A_668 = arith.constant 0 : index
    %get3A_669 = vector.load %arg1[%get3A_665, %get3A_666, %get3A_667, %get3A_668] : memref<1x648x16x128xf32, #tpu.memory_space<vmem>>, vector<1x648x1x128xf32>
    %get3A_670 = vector.shape_cast %get3A_669 : vector<1x648x1x128xf32> to vector<648x128xf32>
    %mul3A_671 = vector.broadcast %slice3A_664 : vector<648x1xf32> to vector<648x128xf32>
    %mul3A_672 = arith.mulf %get3A_670, %mul3A_671 : vector<648x128xf32>
    %add3A_673 = arith.addf %add3A_654, %mul3A_672 : vector<648x128xf32>
    %get3A_674 = arith.constant 0 : index
    %get3A_675 = arith.constant 0 : index
    %get3A_676 = arith.constant 13 : index
    %get3A_677 = arith.constant 0 : index
    %get3A_678 = vector.load %arg2[%get3A_674, %get3A_675, %get3A_676, %get3A_677] : memref<1x648x16x128xf32, #tpu.memory_space<vmem>>, vector<1x648x1x3xf32>
    %get3A_679 = vector.shape_cast %get3A_678 : vector<1x648x1x3xf32> to vector<648x3xf32>
    %mul3A_680 = vector.broadcast %slice3A_664 : vector<648x1xf32> to vector<648x3xf32>
    %mul3A_681 = arith.mulf %get3A_679, %mul3A_680 : vector<648x3xf32>
    %add3A_682 = arith.addf %add3A_663, %mul3A_681 : vector<648x3xf32>
    %slice3A_683 = vector.extract_strided_slice %div3A_413 {offsets = [0, 14], sizes = [648, 1], strides = [1, 1]} : vector<648x16xf32> to vector<648x1xf32>
    %get3A_684 = arith.constant 0 : index
    %get3A_685 = arith.constant 0 : index
    %get3A_686 = arith.constant 14 : index
    %get3A_687 = arith.constant 0 : index
    %get3A_688 = vector.load %arg1[%get3A_684, %get3A_685, %get3A_686, %get3A_687] : memref<1x648x16x128xf32, #tpu.memory_space<vmem>>, vector<1x648x1x128xf32>
    %get3A_689 = vector.shape_cast %get3A_688 : vector<1x648x1x128xf32> to vector<648x128xf32>
    %mul3A_690 = vector.broadcast %slice3A_683 : vector<648x1xf32> to vector<648x128xf32>
    %mul3A_691 = arith.mulf %get3A_689, %mul3A_690 : vector<648x128xf32>
    %add3A_692 = arith.addf %add3A_673, %mul3A_691 : vector<648x128xf32>
    %get3A_693 = arith.constant 0 : index
    %get3A_694 = arith.constant 0 : index
    %get3A_695 = arith.constant 14 : index
    %get3A_696 = arith.constant 0 : index
    %get3A_697 = vector.load %arg2[%get3A_693, %get3A_694, %get3A_695, %get3A_696] : memref<1x648x16x128xf32, #tpu.memory_space<vmem>>, vector<1x648x1x3xf32>
    %get3A_698 = vector.shape_cast %get3A_697 : vector<1x648x1x3xf32> to vector<648x3xf32>
    %mul3A_699 = vector.broadcast %slice3A_683 : vector<648x1xf32> to vector<648x3xf32>
    %mul3A_700 = arith.mulf %get3A_698, %mul3A_699 : vector<648x3xf32>
    %add3A_701 = arith.addf %add3A_682, %mul3A_700 : vector<648x3xf32>
    %slice3A_702 = vector.extract_strided_slice %div3A_413 {offsets = [0, 15], sizes = [648, 1], strides = [1, 1]} : vector<648x16xf32> to vector<648x1xf32>
    %get3A_703 = arith.constant 0 : index
    %get3A_704 = arith.constant 0 : index
    %get3A_705 = arith.constant 15 : index
    %get3A_706 = arith.constant 0 : index
    %get3A_707 = vector.load %arg1[%get3A_703, %get3A_704, %get3A_705, %get3A_706] : memref<1x648x16x128xf32, #tpu.memory_space<vmem>>, vector<1x648x1x128xf32>
    %get3A_708 = vector.shape_cast %get3A_707 : vector<1x648x1x128xf32> to vector<648x128xf32>
    %mul3A_709 = vector.broadcast %slice3A_702 : vector<648x1xf32> to vector<648x128xf32>
    %mul3A_710 = arith.mulf %get3A_708, %mul3A_709 : vector<648x128xf32>
    %add3A_711 = arith.addf %add3A_692, %mul3A_710 : vector<648x128xf32>
    %get3A_712 = arith.constant 0 : index
    %get3A_713 = arith.constant 0 : index
    %get3A_714 = arith.constant 15 : index
    %get3A_715 = arith.constant 0 : index
    %get3A_716 = vector.load %arg2[%get3A_712, %get3A_713, %get3A_714, %get3A_715] : memref<1x648x16x128xf32, #tpu.memory_space<vmem>>, vector<1x648x1x3xf32>
    %get3A_717 = vector.shape_cast %get3A_716 : vector<1x648x1x3xf32> to vector<648x3xf32>
    %mul3A_718 = vector.broadcast %slice3A_702 : vector<648x1xf32> to vector<648x3xf32>
    %mul3A_719 = arith.mulf %get3A_717, %mul3A_718 : vector<648x3xf32>
    %add3A_720 = arith.addf %add3A_701, %mul3A_719 : vector<648x3xf32>
    %dot_general3A_721 = arith.constant dense<0.000000e+00> : vector<648x256xf32>
    %dot_general3A_722 = tpu.matmul %add3A_711, %dot_general3A_22, %dot_general3A_721 {dimension_numbers = #tpu.dot_dimension_numbers<[1], [0], [0], [1], [0, 0, 1, 1], [], []>, transpose_lhs_hint = false} : vector<648x128xf32>, vector<128x256xf32>, vector<648x256xf32> -> vector<648x256xf32>
    %dot_general3A_723 = arith.constant dense<0.000000e+00> : vector<648x256xf32>
    %dot_general3A_724 = tpu.matmul %add3A_720, %dot_general3A_26, %dot_general3A_723 {dimension_numbers = #tpu.dot_dimension_numbers<[1], [0], [0], [1], [0, 0, 1, 1], [], []>, transpose_lhs_hint = false} : vector<648x3xf32>, vector<3x256xf32>, vector<648x256xf32> -> vector<648x256xf32>
    %add3A_725 = arith.addf %dot_general3A_722, %dot_general3A_724 : vector<648x256xf32>
    %add3A_726 = vector.broadcast %add3A_38 : vector<1x256xf32> to vector<648x256xf32>
    %add3A_727 = arith.addf %add3A_725, %add3A_726 : vector<648x256xf32>
    %reduce_sum3A_728 = arith.constant dense<0.000000e+00> : vector<648xf32>
    %reduce_sum3A_729 = vector.multi_reduction <add>, %add3A_727, %reduce_sum3A_728 [1] : vector<648x256xf32> to vector<648xf32>
    %broadcast_in_dim3A_730 = vector.shape_cast %reduce_sum3A_729 : vector<648xf32> to vector<648x1xf32>
    %div3A_731 = arith.constant 2.560000e+02 : f32
    %div3A_732 = vector.broadcast %div3A_731 : f32 to vector<648x1xf32>
    %div3A_733 = arith.divf %broadcast_in_dim3A_730, %div3A_732 : vector<648x1xf32>
    %sub3A_734 = vector.broadcast %div3A_733 : vector<648x1xf32> to vector<648x256xf32>
    %sub3A_735 = arith.subf %add3A_727, %sub3A_734 : vector<648x256xf32>
    %mul3A_736 = arith.mulf %sub3A_735, %sub3A_735 : vector<648x256xf32>
    %reduce_sum3A_737 = arith.constant dense<0.000000e+00> : vector<648xf32>
    %reduce_sum3A_738 = vector.multi_reduction <add>, %mul3A_736, %reduce_sum3A_737 [1] : vector<648x256xf32> to vector<648xf32>
    %broadcast_in_dim3A_739 = vector.shape_cast %reduce_sum3A_738 : vector<648xf32> to vector<648x1xf32>
    %div3A_740 = arith.constant 2.560000e+02 : f32
    %div3A_741 = vector.broadcast %div3A_740 : f32 to vector<648x1xf32>
    %div3A_742 = arith.divf %broadcast_in_dim3A_739, %div3A_741 : vector<648x1xf32>
    %add3A_743 = arith.constant 9.99999974E-6 : f32
    %add3A_744 = vector.broadcast %add3A_743 : f32 to vector<648x1xf32>
    %add3A_745 = arith.addf %div3A_742, %add3A_744 : vector<648x1xf32>
    %sqrt3A = math.sqrt %add3A_745 : vector<648x1xf32>
    %div3A_746 = vector.broadcast %sqrt3A : vector<648x1xf32> to vector<648x256xf32>
    %div3A_747 = arith.divf %sub3A_735, %div3A_746 : vector<648x256xf32>
    %get3A_748 = arith.constant 0 : index
    %get3A_749 = arith.constant 0 : index
    %get3A_750 = vector.load %arg15[%get3A_748, %get3A_749] : memref<1x256xf32, #tpu.memory_space<vmem>>, vector<1x256xf32>
    %mul3A_751 = vector.broadcast %get3A_750 : vector<1x256xf32> to vector<648x256xf32>
    %mul3A_752 = arith.mulf %div3A_747, %mul3A_751 : vector<648x256xf32>
    %get3A_753 = arith.constant 0 : index
    %get3A_754 = arith.constant 0 : index
    %get3A_755 = vector.load %arg16[%get3A_753, %get3A_754] : memref<1x256xf32, #tpu.memory_space<vmem>>, vector<1x256xf32>
    %add3A_756 = vector.broadcast %get3A_755 : vector<1x256xf32> to vector<648x256xf32>
    %add3A_757 = arith.addf %mul3A_752, %add3A_756 : vector<648x256xf32>
    %swap3A = arith.constant 0 : index
    %swap3A_758 = arith.constant 0 : index
    %swap3A_759 = arith.constant 0 : index
    %swap3A_760 = vector.load %arg17[%swap3A, %swap3A_758, %swap3A_759] : memref<1x648x256xf32, #tpu.memory_space<vmem>>, vector<1x648x256xf32>
    %swap3A_761 = vector.shape_cast %swap3A_760 : vector<1x648x256xf32> to vector<648x256xf32>
    %swap3A_762 = vector.shape_cast %add3A_757 : vector<648x256xf32> to vector<1x648x256xf32>
    tpu.vector_store %arg17[%swap3A, %swap3A_758, %swap3A_759], %swap3A_762 {strides = array<i32>} : memref<1x648x256xf32, #tpu.memory_space<vmem>>, vector<1x648x256xf32>,
    return
  }
  func.func @transform_0(%arg0: i32) -> (i32, i32, i32, i32) {
    %c0_i32 = arith.constant 0 : i32
    %c0_i32_0 = arith.constant 0 : i32
    %c0_i32_1 = arith.constant 0 : i32
    %c0_i32_2 = arith.constant 0 : i32
    return %arg0, %c0_i32, %c0_i32_0, %c0_i32_1 : i32, i32, i32, i32
  }
  func.func @transform_1(%arg0: i32) -> (i32, i32, i32, i32) {
    %c0_i32 = arith.constant 0 : i32
    %c0_i32_0 = arith.constant 0 : i32
    %c0_i32_1 = arith.constant 0 : i32
    %c0_i32_2 = arith.constant 0 : i32
    return %arg0, %c0_i32, %c0_i32_0, %c0_i32_1 : i32, i32, i32, i32
  }
  func.func @transform_2(%arg0: i32) -> (i32, i32) {
    %c0_i32 = arith.constant 0 : i32
    %c0_i32_0 = arith.constant 0 : i32
    %c0_i32_1 = arith.constant 0 : i32
    return %c0_i32, %c0_i32_0 : i32, i32
  }
  func.func @transform_3(%arg0: i32) -> (i32, i32) {
    %c0_i32 = arith.constant 0 : i32
    %c0_i32_0 = arith.constant 0 : i32
    %c0_i32_1 = arith.constant 0 : i32
    return %c0_i32, %c0_i32_0 : i32, i32
  }
  func.func @transform_4(%arg0: i32) -> (i32, i32) {
    %c0_i32 = arith.constant 0 : i32
    %c0_i32_0 = arith.constant 0 : i32
    %c0_i32_1 = arith.constant 0 : i32
    return %c0_i32, %c0_i32_0 : i32, i32
  }
  func.func @transform_5(%arg0: i32) -> (i32, i32) {
    %c0_i32 = arith.constant 0 : i32
    %c0_i32_0 = arith.constant 0 : i32
    %c0_i32_1 = arith.constant 0 : i32
    return %c0_i32, %c0_i32_0 : i32, i32
  }
  func.func @transform_6(%arg0: i32) -> (i32, i32) {
    %c0_i32 = arith.constant 0 : i32
    %c0_i32_0 = arith.constant 0 : i32
    %c0_i32_1 = arith.constant 0 : i32
    return %c0_i32, %c0_i32_0 : i32, i32
  }
  func.func @transform_7(%arg0: i32) -> (i32, i32) {
    %c0_i32 = arith.constant 0 : i32
    %c0_i32_0 = arith.constant 0 : i32
    %c0_i32_1 = arith.constant 0 : i32
    return %c0_i32, %c0_i32_0 : i32, i32
  }
  func.func @transform_8(%arg0: i32) -> (i32, i32) {
    %c0_i32 = arith.constant 0 : i32
    %c0_i32_0 = arith.constant 0 : i32
    %c0_i32_1 = arith.constant 0 : i32
    return %c0_i32, %c0_i32_0 : i32, i32
  }
  func.func @transform_9(%arg0: i32) -> (i32, i32) {
    %c0_i32 = arith.constant 0 : i32
    %c0_i32_0 = arith.constant 0 : i32
    %c0_i32_1 = arith.constant 0 : i32
    return %c0_i32, %c0_i32_0 : i32, i32
  }
  func.func @transform_10(%arg0: i32) -> (i32, i32) {
    %c0_i32 = arith.constant 0 : i32
    %c0_i32_0 = arith.constant 0 : i32
    %c0_i32_1 = arith.constant 0 : i32
    return %c0_i32, %c0_i32_0 : i32, i32
  }
  func.func @transform_11(%arg0: i32) -> (i32, i32) {
    %c0_i32 = arith.constant 0 : i32
    %c0_i32_0 = arith.constant 0 : i32
    %c0_i32_1 = arith.constant 0 : i32
    return %c0_i32, %c0_i32_0 : i32, i32
  }
  func.func @transform_12(%arg0: i32) -> (i32, i32) {
    %c0_i32 = arith.constant 0 : i32
    %c0_i32_0 = arith.constant 0 : i32
    %c0_i32_1 = arith.constant 0 : i32
    return %c0_i32, %c0_i32_0 : i32, i32
  }
  func.func @transform_13(%arg0: i32) -> (i32, i32) {
    %c0_i32 = arith.constant 0 : i32
    %c0_i32_0 = arith.constant 0 : i32
    %c0_i32_1 = arith.constant 0 : i32
    return %c0_i32, %c0_i32_0 : i32, i32
  }
  func.func @transform_14(%arg0: i32) -> (i32, i32) {
    %c0_i32 = arith.constant 0 : i32
    %c0_i32_0 = arith.constant 0 : i32
    %c0_i32_1 = arith.constant 0 : i32
    return %c0_i32, %c0_i32_0 : i32, i32
  }
  func.func @transform_15(%arg0: i32) -> (i32, i32) {
    %c0_i32 = arith.constant 0 : i32
    %c0_i32_0 = arith.constant 0 : i32
    %c0_i32_1 = arith.constant 0 : i32
    return %c0_i32, %c0_i32_0 : i32, i32
  }
  func.func @transform_16(%arg0: i32) -> (i32, i32, i32) {
    %c0_i32 = arith.constant 0 : i32
    %c0_i32_0 = arith.constant 0 : i32
    %c0_i32_1 = arith.constant 0 : i32
    return %arg0, %c0_i32, %c0_i32_0 : i32, i32, i32
  }
}

</mosaic_0001>

<sc_bundles>
// kernel: kernel.5.cloned.1.call-start
scs
__scs_entry_jumppad:
0x0: {  	(pc) =	sbr.rel $0x88, $3  }
0x1: {  	(tag) =	ssettag $0x0;
	lr =	simm.s32 $0x1  }
0x2: {  	[smem:$0x3F91] =	sst lr;
	_ =	strace $0xD0000000  }
0x3: {  	_ = 	snop  }
0x4: {  	_ = 	snop  }
0x5: {  	_ = 	snop  }
0x6: {  	_ = 	snop  }
0x7: {  	_ = 	snop  }
__scs_overlays_trampoline_lowered:
0x8: {  	[smem:$0x3FA0] =	sst s0  }
0x9: {  	[smem:$0x3FA1] =	sst s1  }
0xa: {  	[smem:$0x3FA2] =	sst s2  }
0xb: {  	[smem:$0x3FA3] =	sst s3  }
0xc: {  	[smem:$0x3FA4] =	sst s4  }
0xd: {  	[smem:$0x3FA5] =	sst s5  }
0xe: {  	[smem:$0x3FA6] =	sst s6  }
0xf: {  	[smem:$0x3FA7] =	sst s7  }
0x10: {  	[smem:$0x3FA8] =	sst s8  }
0x11: {  	[smem:$0x3FA9] =	sst s9;
	s0 =	simm.s32 @!p0 $0x0  }
0x12: {  	s1 =	sld [smem:$0x3F8F];
	s0 =	simm.s32 @p0 $0x1  }
0x13: {  	[smem:$0x3FAA] =	sst s0;
	s0 =	simm.s32 @!p1 $0x0  }
0x14: {  	s2 =	sld [smem:$0x3F8E];
	s0 =	simm.s32 @p1 $0x1  }
0x15: {  	[smem:$0x3FAB] =	sst s0;
	s0 =	simm.s32 @!p2 $0x0  }
0x16: {  	s3 =	sld [smem:$0x3FDB];
	s0 =	simm.s32 @p2 $0x1  }
0x17: {  	s4 =	simm.s32 $0x1BF5;
	[smem:$0x3FAD] =	sst s0  }
0x18: {  	s0 =	sld [smem:$0x3F90];
	_ =	swait.ge [sflag:s4], $0x0  }
0x19: {  	s7 =	sld [smem:$0x3F91]  }
0x1a: {  	s8 =	sadd.s32 $0xFFFFE003, lr  }
0x1b: {  	s9 =	sadd.s32 $0xFFFFFEF7, lr;
	s5 =	simm.s32 $0xFFFFFFFF;
	p2 =	slt.u32 s8, $0xFFFFF086  }
0x1c: {  	p1 =	slt.u32 s9, $0xF7A;
	s5 =	simm.s32 @!p2 $0x0  }
0x1d: {  	s5 =	simm.s32 @p1 $0x1;
	p0 =	seq.s32 s7, s2  }
0x1e: {  	s7 =	smul.u32 @!p0 $0xF7A, s2;
	p2 =	seq.s32 @!p0 s5, $0x0  }
0x1f: {  	s9 =	smul.u32 $0xF7A, s1;
	s8 =	simm.s32 @!p0 $0x1BF5;
	p2 =	por !p2, p0  }
0x20: {  	[sflag:s8] =	ssyncset.s32 @!p0 $0xFFFFF086;
	s6 =	sadd.s32 @!p0 s3, s7;
	s7 =	simm.s32 @!p0 $0x108  }
0x21: {  	s3 =	sadd.s32 s3, s9;
	s6 =	sadd.s32 @!p0 $0x88, s6;
	s7 =	simm.s32 @p2 $0x1082  }
0x22: {  	[simem:s7], [sflag:s8] =	dma.local @!p0 [hbm:s6], $0xF7A  }
0x23: {  	s9 =	sor.u32 $0xD0000000, s2;
	s6 =	simm.s32 $0x108;
	_ =	swait.ge @!p0 [sflag:s8], $0x0  }
0x24: {  	s3 =	sadd.s32 $0x88, s3;
	s6 =	simm.s32 @!p1 $0x1082;
	[sflag:s4] =	ssyncset.s32 $0xFFFFF086  }
0x25: {  	[simem:s6], [sflag:s4] =	dma.local [hbm:s3], $0xF7A  }
0x26: {  	[smem:$0x3F91] =	sst s1;
	(tag) =	ssettag s2;
	_ =	strace s9  }
0x27: {  	s1 =	sld [smem:$0x3FA1]  }
0x28: {  	s2 =	sld [smem:$0x3FA2]  }
0x29: {  	s4 =	sld [smem:$0x3FA4]  }
0x2a: {  	p0 =	seq.s32 s5, $0x0;
	s5 =	sld [smem:$0x3FA5]  }
0x2b: {  	s6 =	sld [smem:$0x3FA6]  }
0x2c: {  	s7 =	sld [smem:$0x3FA7]  }
0x2d: {  	s3 =	simm.s32 $0x108;
	s8 =	sld [smem:$0x3FA8]  }
0x2e: {  	s3 =	simm.s32 @!p0 $0x1082;
	s9 =	sld [smem:$0x3FA9]  }
0x2f: {  	lr =	sadd.s32 s0, s3;
	s0 =	sld [smem:$0x3FA0]  }
0x30: {  	s3 =	sld [smem:$0x3FA3]  }
0x31: {  	[smem:$0x3FAC] =	sst s10  }
0x32: {  	s10 =	sld [smem:$0x3FAA];
	_ =	sdelay $0x3  }
0x33: {  	p0 =	seq.s32 s10, $0x1;
	s10 =	sld [smem:$0x3FAC];
	_ =	sdelay $0x3  }
0x34: {  	[smem:$0x3FAC] =	sst s10  }
0x35: {  	s10 =	sld [smem:$0x3FAB];
	_ =	sdelay $0x3  }
0x36: {  	p1 =	seq.s32 s10, $0x1;
	s10 =	sld [smem:$0x3FAC];
	_ =	sdelay $0x3  }
0x37: {  	[smem:$0x3FAC] =	sst s10  }
0x38: {  	s10 =	sld [smem:$0x3FAD]  }
0x39: {  	_ = 	snop;
	(pc) =	sbr.ind lr, $3  }
0x3a: {  	_ = 	snop  }
0x3b: {  	_ = 	snop  }
0x3c: {  	p2 =	seq.s32 s10, $0x1;
	s10 =	sld [smem:$0x3FAC]  }
0x3d: {  	_ =	shalt  }
0x3e: {  	_ =	shalt  }
0x3f: {  	_ =	shalt  }
0x40: {  	_ =	shalt  }
0x41: {  	_ =	shalt  }
0x42: {  	_ =	shalt  }
0x43: {  	_ =	shalt  }
0x44: {  	_ =	shalt  }
0x45: {  	_ =	shalt  }
0x46: {  	_ =	shalt  }
0x47: {  	_ =	shalt  }
0x48: {  	_ =	shalt  }
0x49: {  	_ =	shalt  }
0x4a: {  	_ =	shalt  }
0x4b: {  	_ =	shalt  }
0x4c: {  	_ =	shalt  }
0x4d: {  	_ =	shalt  }
0x4e: {  	_ =	shalt  }
0x4f: {  	_ =	shalt  }
0x50: {  	_ =	shalt  }
0x51: {  	_ =	shalt  }
0x52: {  	_ =	shalt  }
0x53: {  	_ =	shalt  }
0x54: {  	_ =	shalt  }
0x55: {  	_ =	shalt  }
0x56: {  	_ =	shalt  }
0x57: {  	_ =	shalt  }
0x58: {  	_ =	shalt  }
0x59: {  	_ =	shalt  }
0x5a: {  	_ =	shalt  }
0x5b: {  	_ =	shalt  }
0x5c: {  	_ =	shalt  }
0x5d: {  	_ =	shalt  }
0x5e: {  	_ =	shalt  }
0x5f: {  	_ =	shalt  }
0x60: {  	_ =	shalt  }
0x61: {  	_ =	shalt  }
0x62: {  	_ =	shalt  }
0x63: {  	_ =	shalt  }
0x64: {  	_ =	shalt  }
0x65: {  	_ =	shalt  }
0x66: {  	_ =	shalt  }
0x67: {  	_ =	shalt  }
0x68: {  	_ =	shalt  }
0x69: {  	_ =	shalt  }
0x6a: {  	_ =	shalt  }
0x6b: {  	_ =	shalt  }
0x6c: {  	_ =	shalt  }
0x6d: {  	_ =	shalt  }
0x6e: {  	_ =	shalt  }
0x6f: {  	_ =	shalt  }
0x70: {  	_ =	shalt  }
0x71: {  	_ =	shalt  }
0x72: {  	_ =	shalt  }
0x73: {  	_ =	shalt  }
0x74: {  	_ =	shalt  }
0x75: {  	_ =	shalt  }
0x76: {  	_ =	shalt  }
0x77: {  	_ =	shalt  }
0x78: {  	_ =	shalt  }
0x79: {  	_ =	shalt  }
0x7a: {  	_ =	shalt  }
0x7b: {  	_ =	shalt  }
0x7c: {  	_ =	shalt  }
0x7d: {  	_ =	shalt  }
0x7e: {  	_ =	shalt  }
0x7f: {  	_ =	shalt  }
0x80: {  	_ =	shalt  }
0x81: {  	_ =	shalt  }
0x82: {  	_ =	shalt  }
0x83: {  	_ =	shalt  }
0x84: {  	_ =	shalt  }
0x85: {  	_ =	shalt  }
0x86: {  	_ =	shalt  }
0x87: {  	_ =	shalt  }
.Lfunc_end0:
.L_simem_size_0:
called_computation_lowered:
.L_overlay_start_0:
0x88: {  	s2 =	sld [smem:$0x3FD9]  }
0x89: {  	s3 =	sld [smem:$0x3FFE];
	_ =	sdelay $0x1  }
0x8a: {  	s1 =	srdreg.scid  }
0x8b: {  	s0 =	sand.u32 $0x1, s1  }
0x8c: {  	s14 =	sshll.u32 s0, $0xA;
	s2 =	sadd.s32 s3, s2  }
0x8d: {  	s2 =	sadd.s32 s2, s14  }
0x8e: {  	[smem:$0x3FB8] =	sst s2  }
0x8f: {  	_ = 	snop  }
0x90: {  	s2 =	sld [smem:$0x3FD0];
	_ =	sdelay $0x2  }
0x91: {  	s4 =	simm.s32 $0xA;
	s5 =	simm.s32 $0x10;
	s15 =	sld [smem:$0x3FC9]  }
0x92: {  	[smem:s5], [sflag:s4] =	dma.local [hbm:s2], $0x1  }
0x93: {  	_ =	swait.eq [sflag:s4], $0x1  }
0x94: {  	[sflag:s4] =	ssyncset.done $0x0  }
0x95: {  	[sflag:s4] =	ssyncadd.s32 $0xFFFFFFFF  }
0x96: {  	s16 =	sld [smem:$0x10];
	(tm) =	ssettm $0x1  }
0x97: {  	s17 =	sld [smem:$0x3FFB];
	_ =	sdelay $0x3  }
0x98: {  	_ =	strace s17  }
0x99: {  	s4 =	sld [smem:$0x3FFC];
	_ =	sdelay $0x3  }
0x9a: {  	_ =	strace s4  }
0x9b: {  	s4 =	sld [smem:$0x3FFD];
	_ =	sdelay $0x3  }
0x9c: {  	_ =	strace s4  }
0x9d: {  	_ =	strace $0x8FFFFFFF  }
0x9e: {  	s18 =	sld [smem:$0x3FDB];
	_ =	sdelay $0x1  }
0x9f: {  	s19 =	simm.s32 $_scs_section_size  }
0xa0: {  	s6 =	simm.s32 $_size__tile_overlayer_lowered;
	s7 =	simm.s32 $_tile_overlayer_lowered  }
0xa1: {  	s22 =	simm.s32 $0x1BFF;
	s21 =	sshll.u32 s7, $0x1;
	s4 =	sadd.s32 s19, s18  }
0xa2: {  	s8 =	simm.s32 $0x0;
	s20 =	sshll.u32 s6, $0x1;
	s6 =	sadd.s32 s21, s4  }
0xa3: {  	[timem:s8], [sflag:s22] =	dma.local [hbm:s6], s20  }
0xa4: {  	_ =	swait.ge [sflag:s22], s20  }
0xa5: {  	s5 =	ssub.s32 $0x0, s20;
	[sflag:s22] =	ssyncset.done $0x0  }
0xa6: {  	[sflag:s22] =	ssyncadd.s32 s5;
	_ =	sdelay $0x1  }
0xa7: {  	s23 =	simm.s32 $0x1B8B  }
0xa8: {  	_ =	swait.ge [sflag:s23], $0x1  }
0xa9: {  	[sflag:s23] =	ssyncset.done $0x0  }
0xaa: {  	s25 =	simm.s32 $0x1B8E;
	s24 =	sld [smem:$0x3FFE];
	[sflag:s23] =	ssyncadd.s32 $0xFFFFFFFF  }
0xab: {  	s26 =	simm.s32 $execute0_lowered;
	[smem:$0x3FD2] =	sst s25  }
0xac: {  	s6 =	sshll.u32 s26, $0x1;
	_ =	strace $0x80000046;
	[dreg:$0x1] =	wrdreg $0xFFFFFFFF  }
0xad: {  	s28 =	simm.s32 $_size_execute0_lowered;
	s4 =	sadd.s32 s4, s6;
	[dreg:$0x0] =	wrdreg $0x0  }
0xae: {  	s6 =	sshll.u32 s28, $0x1;
	[dreg:$0x2] =	wrdreg s4  }
0xaf: {  	[dreg:$0x3] =	wrdreg s6  }
0xb0: {  	[dreg:$0x4] =	wrdreg $0xC0  }
0xb1: {  	_ =	task [dreg:s8], $0x5FFFF  }
0xb2: {  	[dreg:$0x1] =	wrdreg $0xFFFFFFFF  }
0xb3: {  	[dreg:$0x0] =	wrdreg $0x60  }
0xb4: {  	[dreg:$0x2] =	wrdreg s15  }
0xb5: {  	[dreg:$0x3] =	wrdreg s24  }
0xb6: {  	[dreg:$0x4] =	wrdreg s16  }
0xb7: {  	[dreg:$0x5] =	wrdreg $0x9  }
0xb8: {  	_ =	task.clear_ibuf [dreg:s8], $0x6FFFF;
	_ =	strace $0x90000046  }
0xb9: {  	s29 =	simm.s32 $0x9;
	_ =	strace $0x80000048  }
0xba: {  	_ =	swait.ge [sflag:s29], $0x1  }
0xbb: {  	[sflag:s29] =	ssyncadd.s32 $0xFFFFFFFF  }
0xbc: {  	_ =	strace $0x90000048  }
0xbd: {  	_ =	sfence  }
0xbe: {  	s30 =	sld [smem:$0x0];
	_ =	sdelay $0x2  }
0xbf: {  	s31 =	sshll.u32 s1, $0xD;
	s1 =	sshrl.u32 s1, $0x2  }
0xc0: {  	s3 =	sand.u32 $0x4000, s31;
	s1 =	sadd.s32 s1, s30  }
0xc1: {  	s0 =	sor.u32 s3, s0;
	s1 =	sshll.u32 s1, $0x11  }
0xc2: {  	s0 =	sor.u32 s1, s0  }
0xc3: {  	s0 =	sadd.s32 $0x8F2B, s0  }
0xc4: {  	[sflag:s0] =	ssyncadd.remote.s32 $0x1  }
0xc5: {  	_ =	sfence.sel $0xFFFF  }
0xc6: {  	[dreg:$0x0] =	wrdreg $0xFFFFFFFF;
	(pc) =	sbr.abs _section_cstart, $3  }
0xc7: {  	[dreg:$0x1] =	wrdreg $0xFFFFFFFF  }
0xc8: {  	_ =	task.clear_ibuf [dreg:s8], $0x2FFFF;
	_ =	strace $0x9FFFFFFF  }
0xc9: {  	(tm) =	ssettm $0x7FFFFFFF  }
tec
execute0_lowered:
.L_overlay_start_1:
0x0: {  	(tag) =	ssettag $0x1  }
0x1: {  	s1 =	rddreg [dreg:$0x0]  }
0x2: {  	s2 =	srdreg.scid;
	s0 =	stileid.u32  }
0x3: {  	s11 =	rddreg [dreg:$0x1];
	s12 =	sand.u32 $0x1, s2;
	s30 =	sshll.u32 s0, $0x1  }
0x4: {  	s4 =	rddreg [dreg:$0x2];
	s6 =	sor.u32 s12, s30  }
0x5: {  	s3 =	simm.s32 $0x0;
	s2 =	rddreg [dreg:$0x3];
	s10 =	smul.u32 $0x51, s6  }
0x6: {  	[smem:$0x7FF] =	sst s3  }
0x7: {  	_ =	strace $0x80000047;
	s5 =	sadd.s32 s4, s10;
	s4 =	simm.s32 $0x2  }
0x8: {  	[tilespmem:s3], [sflag:$0x2] =	stream.linear.gather [hbm4b:s5+s3], $0x288, $0x38;
	[tilespmem:$0x14700] =	vst v63  }
0x9: {  	_ =	swait.ge [sflag:s4], $0x288  }
0xa: {  	s7 =	simm.s32 $0x300;
	s8 =	simm.s32 $0x1;
	[sflag:s4] =	ssyncset.done $0x0  }
0xb: {  	s9 =	smul.u32 $0x2880, s6;
	s6 =	simm.s32 $0x288;
	[sflag:s4] =	ssyncadd.s32 $0xFFFFFD78  }
0xc: {  	[tilespmem:s7], [sflag:$0x1] =	stream.indirect.gather [hbm4b:s1+s6], $0x80, s3, s6, $0xb8;
	[tilespmem:$0x14700] =	vst v63  }
0xd: {  	_ =	swait.ge [sflag:s8], $0x14400  }
0xe: {  	s13 =	sadd.s32 s9, s11;
	[sflag:s8] =	ssyncset.done $0x0  }
0xf: {  	s9 =	sadd.s32 $0x2600, s13;
	[sflag:s8] =	ssyncadd.s32 $0xFFFEBC00  }
0x10: {  	[hbm4b:s9+s3] =	stream.linear.scatter [tilespmem:s7], [sflag:$0x2], $0x14400, $0x38;
	[tilespmem:$0x14700] =	vst v63  }
0x11: {  	_ =	swait.ge [sflag:s4], $0x14400  }
0x12: {  	s10 =	sadd.s32 s10, s11;
	[sflag:s4] =	ssyncset.done $0x0  }
0x13: {  	s12 =	ssub.s32 $0x2, s12;
	s10 =	sadd.s32 $0x1A00, s10;
	[sflag:s4] =	ssyncadd.s32 $0xFFFEBC00  }
0x14: {  	[tilespmem:s3], [sflag:$0x2] =	stream.linear.gather [hbm4b:s10+s3], $0x288, $0x38;
	[tilespmem:$0x14700] =	vst v63  }
0x15: {  	s14 =	sshrl.u32 s12, $0x1;
	_ =	swait.ge [sflag:s4], $0x288  }
0x16: {  	s14 =	ssub.s32 s12, s14;
	[sflag:s4] =	ssyncset.done $0x0  }
0x17: {  	s11 =	sadd.s32 $0x109800, s11;
	s31 =	smax.u32 s14, $0x1;
	[sflag:s4] =	ssyncadd.s32 $0xFFFFFD78  }
0x18: {  	[tilespmem:s7], [sflag:$0x1] =	stream.indirect.gather [hbm4b:s11+s6], $0x80, s3, s6, $0xb8;
	[tilespmem:$0x14700] =	vst v63  }
0x19: {  	p0 =	sne.s32 s31, $0x1;
	_ =	swait.ge [sflag:s8], $0x14400  }
.Ltmp0:
0x1a: {  	[sflag:s8] =	ssyncset.done $0x0;
	(pc) =	sbr.rel @!p0 .LBB2_2-.Ltmp0, $4  }
0x1b: {  	s12 =	sadd.s32 $0x53600, s13;
	[sflag:s8] =	ssyncadd.s32 $0xFFFEBC00  }
0x1c: {  	[hbm4b:s12+s3] =	stream.linear.scatter [tilespmem:s7], [sflag:$0x2], $0x14400, $0x38;
	[tilespmem:$0x14700] =	vst v63  }
0x1d: {  	_ =	swait.ge [sflag:s4], $0x14400  }
0x1e: {  	s13 =	sadd.s32 $0xFFFFFFFF, s31;
	[sflag:s4] =	ssyncset.done $0x0  }
.LBB2_1:
0x1f: {  	p0 =	sne.s32 s13, $0x1;
	s13 =	sadd.s32 $0xFFFFFFFF, s13;
	[sflag:s4] =	ssyncadd.s32 $0xFFFEBC00  }
0x20: {  	[tilespmem:s3], [sflag:$0x2] =	stream.linear.gather [hbm4b:s5+s3], $0x288, $0x38;
	[tilespmem:$0x14700] =	vst v63  }
0x21: {  	_ =	swait.ge [sflag:s4], $0x288  }
0x22: {  	[sflag:s4] =	ssyncset.done $0x0  }
0x23: {  	[sflag:s4] =	ssyncadd.s32 $0xFFFFFD78  }
0x24: {  	[tilespmem:s7], [sflag:$0x1] =	stream.indirect.gather [hbm4b:s1+s6], $0x80, s3, s6, $0xb8;
	[tilespmem:$0x14700] =	vst v63  }
0x25: {  	_ =	swait.ge [sflag:s8], $0x14400  }
0x26: {  	[sflag:s8] =	ssyncset.done $0x0  }
0x27: {  	[sflag:s8] =	ssyncadd.s32 $0xFFFEBC00  }
0x28: {  	[hbm4b:s9+s3] =	stream.linear.scatter [tilespmem:s7], [sflag:$0x2], $0x14400, $0x38;
	[tilespmem:$0x14700] =	vst v63  }
0x29: {  	_ =	swait.ge [sflag:s4], $0x14400  }
0x2a: {  	[sflag:s4] =	ssyncset.done $0x0  }
0x2b: {  	[sflag:s4] =	ssyncadd.s32 $0xFFFEBC00  }
0x2c: {  	[tilespmem:s3], [sflag:$0x2] =	stream.linear.gather [hbm4b:s10+s3], $0x288, $0x38;
	[tilespmem:$0x14700] =	vst v63  }
0x2d: {  	_ =	swait.ge [sflag:s4], $0x288  }
0x2e: {  	[sflag:s4] =	ssyncset.done $0x0  }
0x2f: {  	[sflag:s4] =	ssyncadd.s32 $0xFFFFFD78  }
0x30: {  	[tilespmem:s7], [sflag:$0x1] =	stream.indirect.gather [hbm4b:s11+s6], $0x80, s3, s6, $0xb8;
	[tilespmem:$0x14700] =	vst v63  }
0x31: {  	_ =	swait.ge [sflag:s8], $0x14400  }
.Ltmp1:
0x32: {  	[sflag:s8] =	ssyncset.done $0x0;
	(pc) =	sbr.rel @p0 .LBB2_1-.Ltmp1, $4  }
0x33: {  	[sflag:s8] =	ssyncadd.s32 $0xFFFEBC00  }
0x34: {  	[hbm4b:s12+s3] =	stream.linear.scatter [tilespmem:s7], [sflag:$0x2], $0x14400, $0x38;
	[tilespmem:$0x14700] =	vst v63  }
0x35: {  	_ =	swait.ge [sflag:s4], $0x14400  }
0x36: {  	[sflag:s4] =	ssyncset.done $0x0  }
.LBB2_2:
0x37: {  	[sflag:s4] =	ssyncadd.s32 $0xFFFEBC00  }
0x38: {  	_ =	sfence.sel $0x180000  }
0x39: {  	[bflag:$0x0] =	sbarrier.arrive $0xFFFF  }
0x3a: {  	p0 =	sne.s32 s0, $0x0;
	_ =	strace $0x90000047  }
0x3b: {  	s0 =	sadd.s32 @!p0 $0x100000, s2;
	[bflag:$0x2] =	sbarrier.arrive $0xFFFF  }
0x3c: {  	[sflag:s0] =	ssyncadd.tile.s32 @!p0 $0x1;
	_ =	shalt  }
.Lfunc_end2:
_tile_overlayer_lowered:
.L_overlay_start_2:
0x3d: {  	(tag) =	ssettag $0x2  }
0x3e: {  	s0 =	rddreg [dreg:$0x0];
	s2 =	stileid.u32  }
0x3f: {  	s1 =	rddreg [dreg:$0x1];
	p0 =	sne.s32 s2, $0x0  }
0x40: {  	s3 =	rddreg [dreg:$0x2];
	[bflag:$0x3] =	sbarrier.arrive $0xFFFF;
	s2 =	simm.s32 @!p0 $0x1C02  }
0x41: {  	[timem:s3], [sflag:s2] =	dma.local @!p0 [hbm:s0], s1  }
0x42: {  	s0 =	simm.s32 @!p0 $0x2  }
0x43: {  	_ =	swait.ge @!p0 [sflag:s0], s1  }
0x44: {  	s1 =	ssub.s32 @!p0 $0x0, s1;
	[sflag:s0] =	ssyncset.done @!p0 $0x0  }
0x45: {  	[sflag:s0] =	ssyncadd.s32 @!p0 s1  }
0x46: {  	[bflag:$0x3] =	sbarrier.arrive $0xFFFF  }
0x47: {  	_ =	shalt  }

</sc_bundles>
